<compile_context>
chip_gen: v7x
topology: tpu7x:2x2x1
jax: 0.10.2.dev20260603
libtpu: 0.0.44.dev20260713+nightly
codegen_flags: <defaults>
</compile_context>

<pallas_src>
import jax
import jax.numpy as jnp
from jax import lax
from jax.experimental import pallas as pl
from jax.experimental.pallas import tpu as pltpu
from jax.experimental.pallas import tpu_sc as plsc

_CX = 10

_NC = 2
_NS = 16
_NW = _NC * _NS


def _x_copy_body(x_hbm, x_out, x_v, xin_sem, xout_sem):
    nx = x_hbm.shape[0] // _CX
    loads = []
    for i in range(_CX):
        c = pltpu.make_async_copy(
            x_hbm.at[pl.ds(i * nx, nx), :], x_v.at[pl.ds(i * nx, nx), :],
            xin_sem.at[i])
        c.start()
        loads.append(c)
    stores = []
    for i in range(_CX):
        loads[i].wait()
        s = pltpu.make_async_copy(
            x_v.at[pl.ds(i * nx, nx), :], x_out.at[pl.ds(i * nx, nx), :],
            xout_sem.at[i])
        s.start()
        stores.append(s)
    for s in stores:
        s.wait()


_EC = 25


def _sc_e_copy(e_hbm, e_out, b0, b1, s0, s1, t0, t1):
    wid = lax.axis_index("s") * _NC + lax.axis_index("c")
    er = e_hbm.shape[0] // _NW
    nc = er // _EC
    base = wid * er
    bufs = (b0, b1)
    isems = (s0, s1)
    osems = (t0, t1)
    loads = {}
    stores = {}
    for i in range(2):
        c = pltpu.make_async_copy(
            e_hbm.at[pl.ds(base + i * nc, nc)], bufs[i], isems[i])
        c.start()
        loads[i] = c
    for i in range(_EC):
        loads[i].wait()
        s = pltpu.make_async_copy(
            bufs[i % 2], e_out.at[pl.ds(base + i * nc, nc)], osems[i % 2])
        s.start()
        stores[i] = s
        nxt = i + 2
        if nxt < _EC:
            stores[i].wait()
            c = pltpu.make_async_copy(
                e_hbm.at[pl.ds(base + nxt * nc, nc)], bufs[nxt % 2],
                isems[nxt % 2])
            c.start()
            loads[nxt] = c
    for i in range(_EC - 2, _EC):
        stores[i].wait()


def kernel(x, x_lstm, encoded_z_gnss, edge_index, edge_attr):
    n_nodes, d_feat = x.shape
    n_edges, d_edge = edge_attr.shape
    x_out = pl.pallas_call(
        _x_copy_body,
        out_shape=jax.ShapeDtypeStruct(x.shape, x.dtype),
        in_specs=[pl.BlockSpec(memory_space=pl.ANY)],
        out_specs=pl.BlockSpec(memory_space=pl.ANY),
        scratch_shapes=[
            pltpu.MemorySpace.VMEM((n_nodes, d_feat), jnp.float32),
            pltpu.SemaphoreType.DMA((_CX,)),
            pltpu.SemaphoreType.DMA((_CX,)),
        ],
    )(x)
    e_copy = pl.kernel(
        _sc_e_copy,
        out_type=jax.ShapeDtypeStruct(edge_attr.shape, edge_attr.dtype),
        mesh=plsc.VectorSubcoreMesh(
            core_axis_name="c", subcore_axis_name="s",
            num_cores=_NC, num_subcores=_NS,
        ),
        scratch_types=[
            pltpu.MemorySpace.VMEM((n_edges // _NW // _EC, d_edge), jnp.float32),
            pltpu.MemorySpace.VMEM((n_edges // _NW // _EC, d_edge), jnp.float32),
            pltpu.SemaphoreType.DMA,
            pltpu.SemaphoreType.DMA,
            pltpu.SemaphoreType.DMA,
            pltpu.SemaphoreType.DMA,
        ],
    )
    e_out = e_copy(edge_attr)
    return (x_out, e_out)

# --- scband reference (transcript-rebuilt; emitter-appended) ---
"""Pipeline reference for scband-meta-layer-bp-50242527429370 (READ-ONLY COPY).

The authoritative reference and input builder live on the scoring server;
editing this copy changes nothing except your own understanding.
"""

import jax, jax.numpy as jnp
import numpy as np


def setup_inputs(seed: int = 0) -> dict:
    key = jax.random.key(seed)
    k1, k2, k3, k4, k5 = jax.random.split(key, 5)
    n_nodes = 10000
    n_edges = 160000
    d_feat = 256
    d_edge = 16
    x = jax.random.normal(k1, (n_nodes, d_feat), dtype=jnp.float32)
    x_lstm = jax.random.normal(k2, (n_nodes, d_feat), dtype=jnp.float32)
    encoded_z_gnss = jax.random.normal(k3, (n_nodes, d_feat), dtype=jnp.float32)
    edge_index = jax.random.randint(k4, (2, n_edges), 0, n_nodes, dtype=jnp.int64)
    edge_attr = jax.random.normal(k5, (n_edges, d_edge), dtype=jnp.float32)
    return {
        "x": x,
        "x_lstm": x_lstm,
        "encoded_z_gnss": encoded_z_gnss,
        "edge_index": edge_index,
        "edge_attr": edge_attr,
    }


def reference(x, x_lstm, encoded_z_gnss, edge_index, edge_attr):
    # MetaLayerBP with edge_model=None and node_model=None.
    # forward:
    #   row, col = edge_index
    #   if self.edge_model is not None:  (skipped, edge_model is None)
    #       edge_attr = self.edge_model(x[row], x[col], edge_attr)
    #   if self.node_model is not None:  (skipped, node_model is None)
    #       x = self.node_model(x, x_lstm, encoded_z_gnss, edge_index, edge_attr)
    #   return (x, edge_attr)
    row = edge_index[0]
    col = edge_index[1]
    # Both sub-models are None, so x and edge_attr pass through unchanged.
    return (x, edge_attr)

if __name__ == "__main__":
    import jax
    _d = setup_inputs()
    print(jax.jit(kernel)(*tuple(_d.values())))

</pallas_src>

<mosaic_0001>
#map = affine_map<(d0, d1) -> (0, 0)>
module attributes {stable_mosaic.version = 14 : i64} {
  func.func @_sc_e_copy(%arg0: i32, %arg1: i32, %arg2: memref<160000x16xf32, #tpu.memory_space<hbm>>, %arg3: memref<160000x16xf32, #tpu.memory_space<hbm>>, %arg4: memref<200x16xf32, #tpu.memory_space<vmem>>, %arg5: memref<200x16xf32, #tpu.memory_space<vmem>>, %arg6: memref<!tpu.dma_semaphore, #tpu.memory_space<semaphore_mem>>, %arg7: memref<!tpu.dma_semaphore, #tpu.memory_space<semaphore_mem>>, %arg8: memref<!tpu.dma_semaphore, #tpu.memory_space<semaphore_mem>>, %arg9: memref<!tpu.dma_semaphore, #tpu.memory_space<semaphore_mem>>) attributes {dimension_semantics = [#tpu.dimension_semantics<core_parallel>, #tpu.dimension_semantics<subcore_parallel>], iteration_bounds = array<i64: 2, 16>, scalar_prefetch = 0 : i64, scratch_operands = 6 : i64, tpu.core_type = #tpu.core_type<sc_vector_subcore>, window_params = [{transform_indices = #map}, {transform_indices = #map}]} {
    %mul3A = arith.constant 2 : i32
    %mul3A_0 = arith.muli %arg1, %mul3A : i32
    %add3A = arith.addi %mul3A_0, %arg0 : i32
    %mul3A_1 = arith.constant 5000 : i32
    %mul3A_2 = arith.muli %add3A, %mul3A_1 : i32
    %add3A_3 = arith.constant 0 : i32
    %add3A_4 = arith.addi %mul3A_2, %add3A_3 : i32
    %dma_start3A = arith.constant 0 : i32
    %dma_start3A_5 = tpu.memref_slice %arg2[%add3A_4, %dma_start3A] : memref<160000x16xf32, #tpu.memory_space<hbm>> -> memref<200x16xf32, #tpu.memory_space<hbm>>
    %dma_start3A_6 = arith.constant 0 : i32
    %dma_start3A_7 = tpu.memref_slice %arg2[%add3A_4, %dma_start3A_6] : memref<160000x16xf32, #tpu.memory_space<hbm>> -> memref<200x16xf32, #tpu.memory_space<hbm>>
    tpu.enqueue_dma source(%dma_start3A_7 : memref<200x16xf32, #tpu.memory_space<hbm>>) target(%arg4 : memref<200x16xf32, #tpu.memory_space<vmem>>) target_semaphore(%arg6 : memref<!tpu.dma_semaphore, #tpu.memory_space<semaphore_mem>>)
    %add3A_8 = arith.constant 200 : i32
    %add3A_9 = arith.addi %mul3A_2, %add3A_8 : i32
    %dma_start3A_10 = arith.constant 0 : i32
    %dma_start3A_11 = tpu.memref_slice %arg2[%add3A_9, %dma_start3A_10] : memref<160000x16xf32, #tpu.memory_space<hbm>> -> memref<200x16xf32, #tpu.memory_space<hbm>>
    %dma_start3A_12 = arith.constant 0 : i32
    %dma_start3A_13 = tpu.memref_slice %arg2[%add3A_9, %dma_start3A_12] : memref<160000x16xf32, #tpu.memory_space<hbm>> -> memref<200x16xf32, #tpu.memory_space<hbm>>
    tpu.enqueue_dma source(%dma_start3A_13 : memref<200x16xf32, #tpu.memory_space<hbm>>) target(%arg5 : memref<200x16xf32, #tpu.memory_space<vmem>>) target_semaphore(%arg7 : memref<!tpu.dma_semaphore, #tpu.memory_space<semaphore_mem>>)
    %dma_wait3A = arith.constant 0 : i32
    %dma_wait3A_14 = tpu.memref_slice %arg2[%add3A_4, %dma_wait3A] : memref<160000x16xf32, #tpu.memory_space<hbm>> -> memref<200x16xf32, #tpu.memory_space<hbm>>
    %dma_wait3A_15 = arith.constant 0 : i32
    %dma_wait3A_16 = tpu.memref_slice %arg2[%add3A_4, %dma_wait3A_15] : memref<160000x16xf32, #tpu.memory_space<hbm>> -> memref<200x16xf32, #tpu.memory_space<hbm>>
    tpu.wait_dma2 semaphore(%arg6 : memref<!tpu.dma_semaphore, #tpu.memory_space<semaphore_mem>>) src(%dma_wait3A_16 : memref<200x16xf32, #tpu.memory_space<hbm>>) dst(%arg4 : memref<200x16xf32, #tpu.memory_space<vmem>>)
    %add3A_17 = arith.constant 0 : i32
    %add3A_18 = arith.addi %mul3A_2, %add3A_17 : i32
    %dma_start3A_19 = arith.constant 0 : i32
    %dma_start3A_20 = tpu.memref_slice %arg3[%add3A_18, %dma_start3A_19] : memref<160000x16xf32, #tpu.memory_space<hbm>> -> memref<200x16xf32, #tpu.memory_space<hbm>>
    %dma_start3A_21 = arith.constant 0 : i32
    %dma_start3A_22 = tpu.memref_slice %arg3[%add3A_18, %dma_start3A_21] : memref<160000x16xf32, #tpu.memory_space<hbm>> -> memref<200x16xf32, #tpu.memory_space<hbm>>
    tpu.enqueue_dma source(%arg4 : memref<200x16xf32, #tpu.memory_space<vmem>>) target(%dma_start3A_22 : memref<200x16xf32, #tpu.memory_space<hbm>>) target_semaphore(%arg8 : memref<!tpu.dma_semaphore, #tpu.memory_space<semaphore_mem>>)
    %dma_wait3A_23 = arith.constant 0 : i32
    %dma_wait3A_24 = tpu.memref_slice %arg3[%add3A_18, %dma_wait3A_23] : memref<160000x16xf32, #tpu.memory_space<hbm>> -> memref<200x16xf32, #tpu.memory_space<hbm>>
    %dma_wait3A_25 = arith.constant 0 : i32
    %dma_wait3A_26 = tpu.memref_slice %arg3[%add3A_18, %dma_wait3A_25] : memref<160000x16xf32, #tpu.memory_space<hbm>> -> memref<200x16xf32, #tpu.memory_space<hbm>>
    tpu.wait_dma2 semaphore(%arg8 : memref<!tpu.dma_semaphore, #tpu.memory_space<semaphore_mem>>) src(%arg4 : memref<200x16xf32, #tpu.memory_space<vmem>>) dst(%dma_wait3A_26 : memref<200x16xf32, #tpu.memory_space<hbm>>)
    %add3A_27 = arith.constant 400 : i32
    %add3A_28 = arith.addi %mul3A_2, %add3A_27 : i32
    %dma_start3A_29 = arith.constant 0 : i32
    %dma_start3A_30 = tpu.memref_slice %arg2[%add3A_28, %dma_start3A_29] : memref<160000x16xf32, #tpu.memory_space<hbm>> -> memref<200x16xf32, #tpu.memory_space<hbm>>
    %dma_start3A_31 = arith.constant 0 : i32
    %dma_start3A_32 = tpu.memref_slice %arg2[%add3A_28, %dma_start3A_31] : memref<160000x16xf32, #tpu.memory_space<hbm>> -> memref<200x16xf32, #tpu.memory_space<hbm>>
    tpu.enqueue_dma source(%dma_start3A_32 : memref<200x16xf32, #tpu.memory_space<hbm>>) target(%arg4 : memref<200x16xf32, #tpu.memory_space<vmem>>) target_semaphore(%arg6 : memref<!tpu.dma_semaphore, #tpu.memory_space<semaphore_mem>>)
    %dma_wait3A_33 = arith.constant 0 : i32
    %dma_wait3A_34 = tpu.memref_slice %arg2[%add3A_9, %dma_wait3A_33] : memref<160000x16xf32, #tpu.memory_space<hbm>> -> memref<200x16xf32, #tpu.memory_space<hbm>>
    %dma_wait3A_35 = arith.constant 0 : i32
    %dma_wait3A_36 = tpu.memref_slice %arg2[%add3A_9, %dma_wait3A_35] : memref<160000x16xf32, #tpu.memory_space<hbm>> -> memref<200x16xf32, #tpu.memory_space<hbm>>
    tpu.wait_dma2 semaphore(%arg7 : memref<!tpu.dma_semaphore, #tpu.memory_space<semaphore_mem>>) src(%dma_wait3A_36 : memref<200x16xf32, #tpu.memory_space<hbm>>) dst(%arg5 : memref<200x16xf32, #tpu.memory_space<vmem>>)
    %add3A_37 = arith.constant 200 : i32
    %add3A_38 = arith.addi %mul3A_2, %add3A_37 : i32
    %dma_start3A_39 = arith.constant 0 : i32
    %dma_start3A_40 = tpu.memref_slice %arg3[%add3A_38, %dma_start3A_39] : memref<160000x16xf32, #tpu.memory_space<hbm>> -> memref<200x16xf32, #tpu.memory_space<hbm>>
    %dma_start3A_41 = arith.constant 0 : i32
    %dma_start3A_42 = tpu.memref_slice %arg3[%add3A_38, %dma_start3A_41] : memref<160000x16xf32, #tpu.memory_space<hbm>> -> memref<200x16xf32, #tpu.memory_space<hbm>>
    tpu.enqueue_dma source(%arg5 : memref<200x16xf32, #tpu.memory_space<vmem>>) target(%dma_start3A_42 : memref<200x16xf32, #tpu.memory_space<hbm>>) target_semaphore(%arg9 : memref<!tpu.dma_semaphore, #tpu.memory_space<semaphore_mem>>)
    %dma_wait3A_43 = arith.constant 0 : i32
    %dma_wait3A_44 = tpu.memref_slice %arg3[%add3A_38, %dma_wait3A_43] : memref<160000x16xf32, #tpu.memory_space<hbm>> -> memref<200x16xf32, #tpu.memory_space<hbm>>
    %dma_wait3A_45 = arith.constant 0 : i32
    %dma_wait3A_46 = tpu.memref_slice %arg3[%add3A_38, %dma_wait3A_45] : memref<160000x16xf32, #tpu.memory_space<hbm>> -> memref<200x16xf32, #tpu.memory_space<hbm>>
    tpu.wait_dma2 semaphore(%arg9 : memref<!tpu.dma_semaphore, #tpu.memory_space<semaphore_mem>>) src(%arg5 : memref<200x16xf32, #tpu.memory_space<vmem>>) dst(%dma_wait3A_46 : memref<200x16xf32, #tpu.memory_space<hbm>>)
    %add3A_47 = arith.constant 600 : i32
    %add3A_48 = arith.addi %mul3A_2, %add3A_47 : i32
    %dma_start3A_49 = arith.constant 0 : i32
    %dma_start3A_50 = tpu.memref_slice %arg2[%add3A_48, %dma_start3A_49] : memref<160000x16xf32, #tpu.memory_space<hbm>> -> memref<200x16xf32, #tpu.memory_space<hbm>>
    %dma_start3A_51 = arith.constant 0 : i32
    %dma_start3A_52 = tpu.memref_slice %arg2[%add3A_48, %dma_start3A_51] : memref<160000x16xf32, #tpu.memory_space<hbm>> -> memref<200x16xf32, #tpu.memory_space<hbm>>
    tpu.enqueue_dma source(%dma_start3A_52 : memref<200x16xf32, #tpu.memory_space<hbm>>) target(%arg5 : memref<200x16xf32, #tpu.memory_space<vmem>>) target_semaphore(%arg7 : memref<!tpu.dma_semaphore, #tpu.memory_space<semaphore_mem>>)
    %dma_wait3A_53 = arith.constant 0 : i32
    %dma_wait3A_54 = tpu.memref_slice %arg2[%add3A_28, %dma_wait3A_53] : memref<160000x16xf32, #tpu.memory_space<hbm>> -> memref<200x16xf32, #tpu.memory_space<hbm>>
    %dma_wait3A_55 = arith.constant 0 : i32
    %dma_wait3A_56 = tpu.memref_slice %arg2[%add3A_28, %dma_wait3A_55] : memref<160000x16xf32, #tpu.memory_space<hbm>> -> memref<200x16xf32, #tpu.memory_space<hbm>>
    tpu.wait_dma2 semaphore(%arg6 : memref<!tpu.dma_semaphore, #tpu.memory_space<semaphore_mem>>) src(%dma_wait3A_56 : memref<200x16xf32, #tpu.memory_space<hbm>>) dst(%arg4 : memref<200x16xf32, #tpu.memory_space<vmem>>)
    %add3A_57 = arith.constant 400 : i32
    %add3A_58 = arith.addi %mul3A_2, %add3A_57 : i32
    %dma_start3A_59 = arith.constant 0 : i32
    %dma_start3A_60 = tpu.memref_slice %arg3[%add3A_58, %dma_start3A_59] : memref<160000x16xf32, #tpu.memory_space<hbm>> -> memref<200x16xf32, #tpu.memory_space<hbm>>
    %dma_start3A_61 = arith.constant 0 : i32
    %dma_start3A_62 = tpu.memref_slice %arg3[%add3A_58, %dma_start3A_61] : memref<160000x16xf32, #tpu.memory_space<hbm>> -> memref<200x16xf32, #tpu.memory_space<hbm>>
    tpu.enqueue_dma source(%arg4 : memref<200x16xf32, #tpu.memory_space<vmem>>) target(%dma_start3A_62 : memref<200x16xf32, #tpu.memory_space<hbm>>) target_semaphore(%arg8 : memref<!tpu.dma_semaphore, #tpu.memory_space<semaphore_mem>>)
    %dma_wait3A_63 = arith.constant 0 : i32
    %dma_wait3A_64 = tpu.memref_slice %arg3[%add3A_58, %dma_wait3A_63] : memref<160000x16xf32, #tpu.memory_space<hbm>> -> memref<200x16xf32, #tpu.memory_space<hbm>>
    %dma_wait3A_65 = arith.constant 0 : i32
    %dma_wait3A_66 = tpu.memref_slice %arg3[%add3A_58, %dma_wait3A_65] : memref<160000x16xf32, #tpu.memory_space<hbm>> -> memref<200x16xf32, #tpu.memory_space<hbm>>
    tpu.wait_dma2 semaphore(%arg8 : memref<!tpu.dma_semaphore, #tpu.memory_space<semaphore_mem>>) src(%arg4 : memref<200x16xf32, #tpu.memory_space<vmem>>) dst(%dma_wait3A_66 : memref<200x16xf32, #tpu.memory_space<hbm>>)
    %add3A_67 = arith.constant 800 : i32
    %add3A_68 = arith.addi %mul3A_2, %add3A_67 : i32
    %dma_start3A_69 = arith.constant 0 : i32
    %dma_start3A_70 = tpu.memref_slice %arg2[%add3A_68, %dma_start3A_69] : memref<160000x16xf32, #tpu.memory_space<hbm>> -> memref<200x16xf32, #tpu.memory_space<hbm>>
    %dma_start3A_71 = arith.constant 0 : i32
    %dma_start3A_72 = tpu.memref_slice %arg2[%add3A_68, %dma_start3A_71] : memref<160000x16xf32, #tpu.memory_space<hbm>> -> memref<200x16xf32, #tpu.memory_space<hbm>>
    tpu.enqueue_dma source(%dma_start3A_72 : memref<200x16xf32, #tpu.memory_space<hbm>>) target(%arg4 : memref<200x16xf32, #tpu.memory_space<vmem>>) target_semaphore(%arg6 : memref<!tpu.dma_semaphore, #tpu.memory_space<semaphore_mem>>)
    %dma_wait3A_73 = arith.constant 0 : i32
    %dma_wait3A_74 = tpu.memref_slice %arg2[%add3A_48, %dma_wait3A_73] : memref<160000x16xf32, #tpu.memory_space<hbm>> -> memref<200x16xf32, #tpu.memory_space<hbm>>
    %dma_wait3A_75 = arith.constant 0 : i32
    %dma_wait3A_76 = tpu.memref_slice %arg2[%add3A_48, %dma_wait3A_75] : memref<160000x16xf32, #tpu.memory_space<hbm>> -> memref<200x16xf32, #tpu.memory_space<hbm>>
    tpu.wait_dma2 semaphore(%arg7 : memref<!tpu.dma_semaphore, #tpu.memory_space<semaphore_mem>>) src(%dma_wait3A_76 : memref<200x16xf32, #tpu.memory_space<hbm>>) dst(%arg5 : memref<200x16xf32, #tpu.memory_space<vmem>>)
    %add3A_77 = arith.constant 600 : i32
    %add3A_78 = arith.addi %mul3A_2, %add3A_77 : i32
    %dma_start3A_79 = arith.constant 0 : i32
    %dma_start3A_80 = tpu.memref_slice %arg3[%add3A_78, %dma_start3A_79] : memref<160000x16xf32, #tpu.memory_space<hbm>> -> memref<200x16xf32, #tpu.memory_space<hbm>>
    %dma_start3A_81 = arith.constant 0 : i32
    %dma_start3A_82 = tpu.memref_slice %arg3[%add3A_78, %dma_start3A_81] : memref<160000x16xf32, #tpu.memory_space<hbm>> -> memref<200x16xf32, #tpu.memory_space<hbm>>
    tpu.enqueue_dma source(%arg5 : memref<200x16xf32, #tpu.memory_space<vmem>>) target(%dma_start3A_82 : memref<200x16xf32, #tpu.memory_space<hbm>>) target_semaphore(%arg9 : memref<!tpu.dma_semaphore, #tpu.memory_space<semaphore_mem>>)
    %dma_wait3A_83 = arith.constant 0 : i32
    %dma_wait3A_84 = tpu.memref_slice %arg3[%add3A_78, %dma_wait3A_83] : memref<160000x16xf32, #tpu.memory_space<hbm>> -> memref<200x16xf32, #tpu.memory_space<hbm>>
    %dma_wait3A_85 = arith.constant 0 : i32
    %dma_wait3A_86 = tpu.memref_slice %arg3[%add3A_78, %dma_wait3A_85] : memref<160000x16xf32, #tpu.memory_space<hbm>> -> memref<200x16xf32, #tpu.memory_space<hbm>>
    tpu.wait_dma2 semaphore(%arg9 : memref<!tpu.dma_semaphore, #tpu.memory_space<semaphore_mem>>) src(%arg5 : memref<200x16xf32, #tpu.memory_space<vmem>>) dst(%dma_wait3A_86 : memref<200x16xf32, #tpu.memory_space<hbm>>)
    %add3A_87 = arith.constant 1000 : i32
    %add3A_88 = arith.addi %mul3A_2, %add3A_87 : i32
    %dma_start3A_89 = arith.constant 0 : i32
    %dma_start3A_90 = tpu.memref_slice %arg2[%add3A_88, %dma_start3A_89] : memref<160000x16xf32, #tpu.memory_space<hbm>> -> memref<200x16xf32, #tpu.memory_space<hbm>>
    %dma_start3A_91 = arith.constant 0 : i32
    %dma_start3A_92 = tpu.memref_slice %arg2[%add3A_88, %dma_start3A_91] : memref<160000x16xf32, #tpu.memory_space<hbm>> -> memref<200x16xf32, #tpu.memory_space<hbm>>
    tpu.enqueue_dma source(%dma_start3A_92 : memref<200x16xf32, #tpu.memory_space<hbm>>) target(%arg5 : memref<200x16xf32, #tpu.memory_space<vmem>>) target_semaphore(%arg7 : memref<!tpu.dma_semaphore, #tpu.memory_space<semaphore_mem>>)
    %dma_wait3A_93 = arith.constant 0 : i32
    %dma_wait3A_94 = tpu.memref_slice %arg2[%add3A_68, %dma_wait3A_93] : memref<160000x16xf32, #tpu.memory_space<hbm>> -> memref<200x16xf32, #tpu.memory_space<hbm>>
    %dma_wait3A_95 = arith.constant 0 : i32
    %dma_wait3A_96 = tpu.memref_slice %arg2[%add3A_68, %dma_wait3A_95] : memref<160000x16xf32, #tpu.memory_space<hbm>> -> memref<200x16xf32, #tpu.memory_space<hbm>>
    tpu.wait_dma2 semaphore(%arg6 : memref<!tpu.dma_semaphore, #tpu.memory_space<semaphore_mem>>) src(%dma_wait3A_96 : memref<200x16xf32, #tpu.memory_space<hbm>>) dst(%arg4 : memref<200x16xf32, #tpu.memory_space<vmem>>)
    %add3A_97 = arith.constant 800 : i32
    %add3A_98 = arith.addi %mul3A_2, %add3A_97 : i32
    %dma_start3A_99 = arith.constant 0 : i32
    %dma_start3A_100 = tpu.memref_slice %arg3[%add3A_98, %dma_start3A_99] : memref<160000x16xf32, #tpu.memory_space<hbm>> -> memref<200x16xf32, #tpu.memory_space<hbm>>
    %dma_start3A_101 = arith.constant 0 : i32
    %dma_start3A_102 = tpu.memref_slice %arg3[%add3A_98, %dma_start3A_101] : memref<160000x16xf32, #tpu.memory_space<hbm>> -> memref<200x16xf32, #tpu.memory_space<hbm>>
    tpu.enqueue_dma source(%arg4 : memref<200x16xf32, #tpu.memory_space<vmem>>) target(%dma_start3A_102 : memref<200x16xf32, #tpu.memory_space<hbm>>) target_semaphore(%arg8 : memref<!tpu.dma_semaphore, #tpu.memory_space<semaphore_mem>>)
    %dma_wait3A_103 = arith.constant 0 : i32
    %dma_wait3A_104 = tpu.memref_slice %arg3[%add3A_98, %dma_wait3A_103] : memref<160000x16xf32, #tpu.memory_space<hbm>> -> memref<200x16xf32, #tpu.memory_space<hbm>>
    %dma_wait3A_105 = arith.constant 0 : i32
    %dma_wait3A_106 = tpu.memref_slice %arg3[%add3A_98, %dma_wait3A_105] : memref<160000x16xf32, #tpu.memory_space<hbm>> -> memref<200x16xf32, #tpu.memory_space<hbm>>
    tpu.wait_dma2 semaphore(%arg8 : memref<!tpu.dma_semaphore, #tpu.memory_space<semaphore_mem>>) src(%arg4 : memref<200x16xf32, #tpu.memory_space<vmem>>) dst(%dma_wait3A_106 : memref<200x16xf32, #tpu.memory_space<hbm>>)
    %add3A_107 = arith.constant 1200 : i32
    %add3A_108 = arith.addi %mul3A_2, %add3A_107 : i32
    %dma_start3A_109 = arith.constant 0 : i32
    %dma_start3A_110 = tpu.memref_slice %arg2[%add3A_108, %dma_start3A_109] : memref<160000x16xf32, #tpu.memory_space<hbm>> -> memref<200x16xf32, #tpu.memory_space<hbm>>
    %dma_start3A_111 = arith.constant 0 : i32
    %dma_start3A_112 = tpu.memref_slice %arg2[%add3A_108, %dma_start3A_111] : memref<160000x16xf32, #tpu.memory_space<hbm>> -> memref<200x16xf32, #tpu.memory_space<hbm>>
    tpu.enqueue_dma source(%dma_start3A_112 : memref<200x16xf32, #tpu.memory_space<hbm>>) target(%arg4 : memref<200x16xf32, #tpu.memory_space<vmem>>) target_semaphore(%arg6 : memref<!tpu.dma_semaphore, #tpu.memory_space<semaphore_mem>>)
    %dma_wait3A_113 = arith.constant 0 : i32
    %dma_wait3A_114 = tpu.memref_slice %arg2[%add3A_88, %dma_wait3A_113] : memref<160000x16xf32, #tpu.memory_space<hbm>> -> memref<200x16xf32, #tpu.memory_space<hbm>>
    %dma_wait3A_115 = arith.constant 0 : i32
    %dma_wait3A_116 = tpu.memref_slice %arg2[%add3A_88, %dma_wait3A_115] : memref<160000x16xf32, #tpu.memory_space<hbm>> -> memref<200x16xf32, #tpu.memory_space<hbm>>
    tpu.wait_dma2 semaphore(%arg7 : memref<!tpu.dma_semaphore, #tpu.memory_space<semaphore_mem>>) src(%dma_wait3A_116 : memref<200x16xf32, #tpu.memory_space<hbm>>) dst(%arg5 : memref<200x16xf32, #tpu.memory_space<vmem>>)
    %add3A_117 = arith.constant 1000 : i32
    %add3A_118 = arith.addi %mul3A_2, %add3A_117 : i32
    %dma_start3A_119 = arith.constant 0 : i32
    %dma_start3A_120 = tpu.memref_slice %arg3[%add3A_118, %dma_start3A_119] : memref<160000x16xf32, #tpu.memory_space<hbm>> -> memref<200x16xf32, #tpu.memory_space<hbm>>
    %dma_start3A_121 = arith.constant 0 : i32
    %dma_start3A_122 = tpu.memref_slice %arg3[%add3A_118, %dma_start3A_121] : memref<160000x16xf32, #tpu.memory_space<hbm>> -> memref<200x16xf32, #tpu.memory_space<hbm>>
    tpu.enqueue_dma source(%arg5 : memref<200x16xf32, #tpu.memory_space<vmem>>) target(%dma_start3A_122 : memref<200x16xf32, #tpu.memory_space<hbm>>) target_semaphore(%arg9 : memref<!tpu.dma_semaphore, #tpu.memory_space<semaphore_mem>>)
    %dma_wait3A_123 = arith.constant 0 : i32
    %dma_wait3A_124 = tpu.memref_slice %arg3[%add3A_118, %dma_wait3A_123] : memref<160000x16xf32, #tpu.memory_space<hbm>> -> memref<200x16xf32, #tpu.memory_space<hbm>>
    %dma_wait3A_125 = arith.constant 0 : i32
    %dma_wait3A_126 = tpu.memref_slice %arg3[%add3A_118, %dma_wait3A_125] : memref<160000x16xf32, #tpu.memory_space<hbm>> -> memref<200x16xf32, #tpu.memory_space<hbm>>
    tpu.wait_dma2 semaphore(%arg9 : memref<!tpu.dma_semaphore, #tpu.memory_space<semaphore_mem>>) src(%arg5 : memref<200x16xf32, #tpu.memory_space<vmem>>) dst(%dma_wait3A_126 : memref<200x16xf32, #tpu.memory_space<hbm>>)
    %add3A_127 = arith.constant 1400 : i32
    %add3A_128 = arith.addi %mul3A_2, %add3A_127 : i32
    %dma_start3A_129 = arith.constant 0 : i32
    %dma_start3A_130 = tpu.memref_slice %arg2[%add3A_128, %dma_start3A_129] : memref<160000x16xf32, #tpu.memory_space<hbm>> -> memref<200x16xf32, #tpu.memory_space<hbm>>
    %dma_start3A_131 = arith.constant 0 : i32
    %dma_start3A_132 = tpu.memref_slice %arg2[%add3A_128, %dma_start3A_131] : memref<160000x16xf32, #tpu.memory_space<hbm>> -> memref<200x16xf32, #tpu.memory_space<hbm>>
    tpu.enqueue_dma source(%dma_start3A_132 : memref<200x16xf32, #tpu.memory_space<hbm>>) target(%arg5 : memref<200x16xf32, #tpu.memory_space<vmem>>) target_semaphore(%arg7 : memref<!tpu.dma_semaphore, #tpu.memory_space<semaphore_mem>>)
    %dma_wait3A_133 = arith.constant 0 : i32
    %dma_wait3A_134 = tpu.memref_slice %arg2[%add3A_108, %dma_wait3A_133] : memref<160000x16xf32, #tpu.memory_space<hbm>> -> memref<200x16xf32, #tpu.memory_space<hbm>>
    %dma_wait3A_135 = arith.constant 0 : i32
    %dma_wait3A_136 = tpu.memref_slice %arg2[%add3A_108, %dma_wait3A_135] : memref<160000x16xf32, #tpu.memory_space<hbm>> -> memref<200x16xf32, #tpu.memory_space<hbm>>
    tpu.wait_dma2 semaphore(%arg6 : memref<!tpu.dma_semaphore, #tpu.memory_space<semaphore_mem>>) src(%dma_wait3A_136 : memref<200x16xf32, #tpu.memory_space<hbm>>) dst(%arg4 : memref<200x16xf32, #tpu.memory_space<vmem>>)
    %add3A_137 = arith.constant 1200 : i32
    %add3A_138 = arith.addi %mul3A_2, %add3A_137 : i32
    %dma_start3A_139 = arith.constant 0 : i32
    %dma_start3A_140 = tpu.memref_slice %arg3[%add3A_138, %dma_start3A_139] : memref<160000x16xf32, #tpu.memory_space<hbm>> -> memref<200x16xf32, #tpu.memory_space<hbm>>
    %dma_start3A_141 = arith.constant 0 : i32
    %dma_start3A_142 = tpu.memref_slice %arg3[%add3A_138, %dma_start3A_141] : memref<160000x16xf32, #tpu.memory_space<hbm>> -> memref<200x16xf32, #tpu.memory_space<hbm>>
    tpu.enqueue_dma source(%arg4 : memref<200x16xf32, #tpu.memory_space<vmem>>) target(%dma_start3A_142 : memref<200x16xf32, #tpu.memory_space<hbm>>) target_semaphore(%arg8 : memref<!tpu.dma_semaphore, #tpu.memory_space<semaphore_mem>>)
    %dma_wait3A_143 = arith.constant 0 : i32
    %dma_wait3A_144 = tpu.memref_slice %arg3[%add3A_138, %dma_wait3A_143] : memref<160000x16xf32, #tpu.memory_space<hbm>> -> memref<200x16xf32, #tpu.memory_space<hbm>>
    %dma_wait3A_145 = arith.constant 0 : i32
    %dma_wait3A_146 = tpu.memref_slice %arg3[%add3A_138, %dma_wait3A_145] : memref<160000x16xf32, #tpu.memory_space<hbm>> -> memref<200x16xf32, #tpu.memory_space<hbm>>
    tpu.wait_dma2 semaphore(%arg8 : memref<!tpu.dma_semaphore, #tpu.memory_space<semaphore_mem>>) src(%arg4 : memref<200x16xf32, #tpu.memory_space<vmem>>) dst(%dma_wait3A_146 : memref<200x16xf32, #tpu.memory_space<hbm>>)
    %add3A_147 = arith.constant 1600 : i32
    %add3A_148 = arith.addi %mul3A_2, %add3A_147 : i32
    %dma_start3A_149 = arith.constant 0 : i32
    %dma_start3A_150 = tpu.memref_slice %arg2[%add3A_148, %dma_start3A_149] : memref<160000x16xf32, #tpu.memory_space<hbm>> -> memref<200x16xf32, #tpu.memory_space<hbm>>
    %dma_start3A_151 = arith.constant 0 : i32
    %dma_start3A_152 = tpu.memref_slice %arg2[%add3A_148, %dma_start3A_151] : memref<160000x16xf32, #tpu.memory_space<hbm>> -> memref<200x16xf32, #tpu.memory_space<hbm>>
    tpu.enqueue_dma source(%dma_start3A_152 : memref<200x16xf32, #tpu.memory_space<hbm>>) target(%arg4 : memref<200x16xf32, #tpu.memory_space<vmem>>) target_semaphore(%arg6 : memref<!tpu.dma_semaphore, #tpu.memory_space<semaphore_mem>>)
    %dma_wait3A_153 = arith.constant 0 : i32
    %dma_wait3A_154 = tpu.memref_slice %arg2[%add3A_128, %dma_wait3A_153] : memref<160000x16xf32, #tpu.memory_space<hbm>> -> memref<200x16xf32, #tpu.memory_space<hbm>>
    %dma_wait3A_155 = arith.constant 0 : i32
    %dma_wait3A_156 = tpu.memref_slice %arg2[%add3A_128, %dma_wait3A_155] : memref<160000x16xf32, #tpu.memory_space<hbm>> -> memref<200x16xf32, #tpu.memory_space<hbm>>
    tpu.wait_dma2 semaphore(%arg7 : memref<!tpu.dma_semaphore, #tpu.memory_space<semaphore_mem>>) src(%dma_wait3A_156 : memref<200x16xf32, #tpu.memory_space<hbm>>) dst(%arg5 : memref<200x16xf32, #tpu.memory_space<vmem>>)
    %add3A_157 = arith.constant 1400 : i32
    %add3A_158 = arith.addi %mul3A_2, %add3A_157 : i32
    %dma_start3A_159 = arith.constant 0 : i32
    %dma_start3A_160 = tpu.memref_slice %arg3[%add3A_158, %dma_start3A_159] : memref<160000x16xf32, #tpu.memory_space<hbm>> -> memref<200x16xf32, #tpu.memory_space<hbm>>
    %dma_start3A_161 = arith.constant 0 : i32
    %dma_start3A_162 = tpu.memref_slice %arg3[%add3A_158, %dma_start3A_161] : memref<160000x16xf32, #tpu.memory_space<hbm>> -> memref<200x16xf32, #tpu.memory_space<hbm>>
    tpu.enqueue_dma source(%arg5 : memref<200x16xf32, #tpu.memory_space<vmem>>) target(%dma_start3A_162 : memref<200x16xf32, #tpu.memory_space<hbm>>) target_semaphore(%arg9 : memref<!tpu.dma_semaphore, #tpu.memory_space<semaphore_mem>>)
    %dma_wait3A_163 = arith.constant 0 : i32
    %dma_wait3A_164 = tpu.memref_slice %arg3[%add3A_158, %dma_wait3A_163] : memref<160000x16xf32, #tpu.memory_space<hbm>> -> memref<200x16xf32, #tpu.memory_space<hbm>>
    %dma_wait3A_165 = arith.constant 0 : i32
    %dma_wait3A_166 = tpu.memref_slice %arg3[%add3A_158, %dma_wait3A_165] : memref<160000x16xf32, #tpu.memory_space<hbm>> -> memref<200x16xf32, #tpu.memory_space<hbm>>
    tpu.wait_dma2 semaphore(%arg9 : memref<!tpu.dma_semaphore, #tpu.memory_space<semaphore_mem>>) src(%arg5 : memref<200x16xf32, #tpu.memory_space<vmem>>) dst(%dma_wait3A_166 : memref<200x16xf32, #tpu.memory_space<hbm>>)
    %add3A_167 = arith.constant 1800 : i32
    %add3A_168 = arith.addi %mul3A_2, %add3A_167 : i32
    %dma_start3A_169 = arith.constant 0 : i32
    %dma_start3A_170 = tpu.memref_slice %arg2[%add3A_168, %dma_start3A_169] : memref<160000x16xf32, #tpu.memory_space<hbm>> -> memref<200x16xf32, #tpu.memory_space<hbm>>
    %dma_start3A_171 = arith.constant 0 : i32
    %dma_start3A_172 = tpu.memref_slice %arg2[%add3A_168, %dma_start3A_171] : memref<160000x16xf32, #tpu.memory_space<hbm>> -> memref<200x16xf32, #tpu.memory_space<hbm>>
    tpu.enqueue_dma source(%dma_start3A_172 : memref<200x16xf32, #tpu.memory_space<hbm>>) target(%arg5 : memref<200x16xf32, #tpu.memory_space<vmem>>) target_semaphore(%arg7 : memref<!tpu.dma_semaphore, #tpu.memory_space<semaphore_mem>>)
    %dma_wait3A_173 = arith.constant 0 : i32
    %dma_wait3A_174 = tpu.memref_slice %arg2[%add3A_148, %dma_wait3A_173] : memref<160000x16xf32, #tpu.memory_space<hbm>> -> memref<200x16xf32, #tpu.memory_space<hbm>>
    %dma_wait3A_175 = arith.constant 0 : i32
    %dma_wait3A_176 = tpu.memref_slice %arg2[%add3A_148, %dma_wait3A_175] : memref<160000x16xf32, #tpu.memory_space<hbm>> -> memref<200x16xf32, #tpu.memory_space<hbm>>
    tpu.wait_dma2 semaphore(%arg6 : memref<!tpu.dma_semaphore, #tpu.memory_space<semaphore_mem>>) src(%dma_wait3A_176 : memref<200x16xf32, #tpu.memory_space<hbm>>) dst(%arg4 : memref<200x16xf32, #tpu.memory_space<vmem>>)
    %add3A_177 = arith.constant 1600 : i32
    %add3A_178 = arith.addi %mul3A_2, %add3A_177 : i32
    %dma_start3A_179 = arith.constant 0 : i32
    %dma_start3A_180 = tpu.memref_slice %arg3[%add3A_178, %dma_start3A_179] : memref<160000x16xf32, #tpu.memory_space<hbm>> -> memref<200x16xf32, #tpu.memory_space<hbm>>
    %dma_start3A_181 = arith.constant 0 : i32
    %dma_start3A_182 = tpu.memref_slice %arg3[%add3A_178, %dma_start3A_181] : memref<160000x16xf32, #tpu.memory_space<hbm>> -> memref<200x16xf32, #tpu.memory_space<hbm>>
    tpu.enqueue_dma source(%arg4 : memref<200x16xf32, #tpu.memory_space<vmem>>) target(%dma_start3A_182 : memref<200x16xf32, #tpu.memory_space<hbm>>) target_semaphore(%arg8 : memref<!tpu.dma_semaphore, #tpu.memory_space<semaphore_mem>>)
    %dma_wait3A_183 = arith.constant 0 : i32
    %dma_wait3A_184 = tpu.memref_slice %arg3[%add3A_178, %dma_wait3A_183] : memref<160000x16xf32, #tpu.memory_space<hbm>> -> memref<200x16xf32, #tpu.memory_space<hbm>>
    %dma_wait3A_185 = arith.constant 0 : i32
    %dma_wait3A_186 = tpu.memref_slice %arg3[%add3A_178, %dma_wait3A_185] : memref<160000x16xf32, #tpu.memory_space<hbm>> -> memref<200x16xf32, #tpu.memory_space<hbm>>
    tpu.wait_dma2 semaphore(%arg8 : memref<!tpu.dma_semaphore, #tpu.memory_space<semaphore_mem>>) src(%arg4 : memref<200x16xf32, #tpu.memory_space<vmem>>) dst(%dma_wait3A_186 : memref<200x16xf32, #tpu.memory_space<hbm>>)
    %add3A_187 = arith.constant 2000 : i32
    %add3A_188 = arith.addi %mul3A_2, %add3A_187 : i32
    %dma_start3A_189 = arith.constant 0 : i32
    %dma_start3A_190 = tpu.memref_slice %arg2[%add3A_188, %dma_start3A_189] : memref<160000x16xf32, #tpu.memory_space<hbm>> -> memref<200x16xf32, #tpu.memory_space<hbm>>
    %dma_start3A_191 = arith.constant 0 : i32
    %dma_start3A_192 = tpu.memref_slice %arg2[%add3A_188, %dma_start3A_191] : memref<160000x16xf32, #tpu.memory_space<hbm>> -> memref<200x16xf32, #tpu.memory_space<hbm>>
    tpu.enqueue_dma source(%dma_start3A_192 : memref<200x16xf32, #tpu.memory_space<hbm>>) target(%arg4 : memref<200x16xf32, #tpu.memory_space<vmem>>) target_semaphore(%arg6 : memref<!tpu.dma_semaphore, #tpu.memory_space<semaphore_mem>>)
    %dma_wait3A_193 = arith.constant 0 : i32
    %dma_wait3A_194 = tpu.memref_slice %arg2[%add3A_168, %dma_wait3A_193] : memref<160000x16xf32, #tpu.memory_space<hbm>> -> memref<200x16xf32, #tpu.memory_space<hbm>>
    %dma_wait3A_195 = arith.constant 0 : i32
    %dma_wait3A_196 = tpu.memref_slice %arg2[%add3A_168, %dma_wait3A_195] : memref<160000x16xf32, #tpu.memory_space<hbm>> -> memref<200x16xf32, #tpu.memory_space<hbm>>
    tpu.wait_dma2 semaphore(%arg7 : memref<!tpu.dma_semaphore, #tpu.memory_space<semaphore_mem>>) src(%dma_wait3A_196 : memref<200x16xf32, #tpu.memory_space<hbm>>) dst(%arg5 : memref<200x16xf32, #tpu.memory_space<vmem>>)
    %add3A_197 = arith.constant 1800 : i32
    %add3A_198 = arith.addi %mul3A_2, %add3A_197 : i32
    %dma_start3A_199 = arith.constant 0 : i32
    %dma_start3A_200 = tpu.memref_slice %arg3[%add3A_198, %dma_start3A_199] : memref<160000x16xf32, #tpu.memory_space<hbm>> -> memref<200x16xf32, #tpu.memory_space<hbm>>
    %dma_start3A_201 = arith.constant 0 : i32
    %dma_start3A_202 = tpu.memref_slice %arg3[%add3A_198, %dma_start3A_201] : memref<160000x16xf32, #tpu.memory_space<hbm>> -> memref<200x16xf32, #tpu.memory_space<hbm>>
    tpu.enqueue_dma source(%arg5 : memref<200x16xf32, #tpu.memory_space<vmem>>) target(%dma_start3A_202 : memref<200x16xf32, #tpu.memory_space<hbm>>) target_semaphore(%arg9 : memref<!tpu.dma_semaphore, #tpu.memory_space<semaphore_mem>>)
    %dma_wait3A_203 = arith.constant 0 : i32
    %dma_wait3A_204 = tpu.memref_slice %arg3[%add3A_198, %dma_wait3A_203] : memref<160000x16xf32, #tpu.memory_space<hbm>> -> memref<200x16xf32, #tpu.memory_space<hbm>>
    %dma_wait3A_205 = arith.constant 0 : i32
    %dma_wait3A_206 = tpu.memref_slice %arg3[%add3A_198, %dma_wait3A_205] : memref<160000x16xf32, #tpu.memory_space<hbm>> -> memref<200x16xf32, #tpu.memory_space<hbm>>
    tpu.wait_dma2 semaphore(%arg9 : memref<!tpu.dma_semaphore, #tpu.memory_space<semaphore_mem>>) src(%arg5 : memref<200x16xf32, #tpu.memory_space<vmem>>) dst(%dma_wait3A_206 : memref<200x16xf32, #tpu.memory_space<hbm>>)
    %add3A_207 = arith.constant 2200 : i32
    %add3A_208 = arith.addi %mul3A_2, %add3A_207 : i32
    %dma_start3A_209 = arith.constant 0 : i32
    %dma_start3A_210 = tpu.memref_slice %arg2[%add3A_208, %dma_start3A_209] : memref<160000x16xf32, #tpu.memory_space<hbm>> -> memref<200x16xf32, #tpu.memory_space<hbm>>
    %dma_start3A_211 = arith.constant 0 : i32
    %dma_start3A_212 = tpu.memref_slice %arg2[%add3A_208, %dma_start3A_211] : memref<160000x16xf32, #tpu.memory_space<hbm>> -> memref<200x16xf32, #tpu.memory_space<hbm>>
    tpu.enqueue_dma source(%dma_start3A_212 : memref<200x16xf32, #tpu.memory_space<hbm>>) target(%arg5 : memref<200x16xf32, #tpu.memory_space<vmem>>) target_semaphore(%arg7 : memref<!tpu.dma_semaphore, #tpu.memory_space<semaphore_mem>>)
    %dma_wait3A_213 = arith.constant 0 : i32
    %dma_wait3A_214 = tpu.memref_slice %arg2[%add3A_188, %dma_wait3A_213] : memref<160000x16xf32, #tpu.memory_space<hbm>> -> memref<200x16xf32, #tpu.memory_space<hbm>>
    %dma_wait3A_215 = arith.constant 0 : i32
    %dma_wait3A_216 = tpu.memref_slice %arg2[%add3A_188, %dma_wait3A_215] : memref<160000x16xf32, #tpu.memory_space<hbm>> -> memref<200x16xf32, #tpu.memory_space<hbm>>
    tpu.wait_dma2 semaphore(%arg6 : memref<!tpu.dma_semaphore, #tpu.memory_space<semaphore_mem>>) src(%dma_wait3A_216 : memref<200x16xf32, #tpu.memory_space<hbm>>) dst(%arg4 : memref<200x16xf32, #tpu.memory_space<vmem>>)
    %add3A_217 = arith.constant 2000 : i32
    %add3A_218 = arith.addi %mul3A_2, %add3A_217 : i32
    %dma_start3A_219 = arith.constant 0 : i32
    %dma_start3A_220 = tpu.memref_slice %arg3[%add3A_218, %dma_start3A_219] : memref<160000x16xf32, #tpu.memory_space<hbm>> -> memref<200x16xf32, #tpu.memory_space<hbm>>
    %dma_start3A_221 = arith.constant 0 : i32
    %dma_start3A_222 = tpu.memref_slice %arg3[%add3A_218, %dma_start3A_221] : memref<160000x16xf32, #tpu.memory_space<hbm>> -> memref<200x16xf32, #tpu.memory_space<hbm>>
    tpu.enqueue_dma source(%arg4 : memref<200x16xf32, #tpu.memory_space<vmem>>) target(%dma_start3A_222 : memref<200x16xf32, #tpu.memory_space<hbm>>) target_semaphore(%arg8 : memref<!tpu.dma_semaphore, #tpu.memory_space<semaphore_mem>>)
    %dma_wait3A_223 = arith.constant 0 : i32
    %dma_wait3A_224 = tpu.memref_slice %arg3[%add3A_218, %dma_wait3A_223] : memref<160000x16xf32, #tpu.memory_space<hbm>> -> memref<200x16xf32, #tpu.memory_space<hbm>>
    %dma_wait3A_225 = arith.constant 0 : i32
    %dma_wait3A_226 = tpu.memref_slice %arg3[%add3A_218, %dma_wait3A_225] : memref<160000x16xf32, #tpu.memory_space<hbm>> -> memref<200x16xf32, #tpu.memory_space<hbm>>
    tpu.wait_dma2 semaphore(%arg8 : memref<!tpu.dma_semaphore, #tpu.memory_space<semaphore_mem>>) src(%arg4 : memref<200x16xf32, #tpu.memory_space<vmem>>) dst(%dma_wait3A_226 : memref<200x16xf32, #tpu.memory_space<hbm>>)
    %add3A_227 = arith.constant 2400 : i32
    %add3A_228 = arith.addi %mul3A_2, %add3A_227 : i32
    %dma_start3A_229 = arith.constant 0 : i32
    %dma_start3A_230 = tpu.memref_slice %arg2[%add3A_228, %dma_start3A_229] : memref<160000x16xf32, #tpu.memory_space<hbm>> -> memref<200x16xf32, #tpu.memory_space<hbm>>
    %dma_start3A_231 = arith.constant 0 : i32
    %dma_start3A_232 = tpu.memref_slice %arg2[%add3A_228, %dma_start3A_231] : memref<160000x16xf32, #tpu.memory_space<hbm>> -> memref<200x16xf32, #tpu.memory_space<hbm>>
    tpu.enqueue_dma source(%dma_start3A_232 : memref<200x16xf32, #tpu.memory_space<hbm>>) target(%arg4 : memref<200x16xf32, #tpu.memory_space<vmem>>) target_semaphore(%arg6 : memref<!tpu.dma_semaphore, #tpu.memory_space<semaphore_mem>>)
    %dma_wait3A_233 = arith.constant 0 : i32
    %dma_wait3A_234 = tpu.memref_slice %arg2[%add3A_208, %dma_wait3A_233] : memref<160000x16xf32, #tpu.memory_space<hbm>> -> memref<200x16xf32, #tpu.memory_space<hbm>>
    %dma_wait3A_235 = arith.constant 0 : i32
    %dma_wait3A_236 = tpu.memref_slice %arg2[%add3A_208, %dma_wait3A_235] : memref<160000x16xf32, #tpu.memory_space<hbm>> -> memref<200x16xf32, #tpu.memory_space<hbm>>
    tpu.wait_dma2 semaphore(%arg7 : memref<!tpu.dma_semaphore, #tpu.memory_space<semaphore_mem>>) src(%dma_wait3A_236 : memref<200x16xf32, #tpu.memory_space<hbm>>) dst(%arg5 : memref<200x16xf32, #tpu.memory_space<vmem>>)
    %add3A_237 = arith.constant 2200 : i32
    %add3A_238 = arith.addi %mul3A_2, %add3A_237 : i32
    %dma_start3A_239 = arith.constant 0 : i32
    %dma_start3A_240 = tpu.memref_slice %arg3[%add3A_238, %dma_start3A_239] : memref<160000x16xf32, #tpu.memory_space<hbm>> -> memref<200x16xf32, #tpu.memory_space<hbm>>
    %dma_start3A_241 = arith.constant 0 : i32
    %dma_start3A_242 = tpu.memref_slice %arg3[%add3A_238, %dma_start3A_241] : memref<160000x16xf32, #tpu.memory_space<hbm>> -> memref<200x16xf32, #tpu.memory_space<hbm>>
    tpu.enqueue_dma source(%arg5 : memref<200x16xf32, #tpu.memory_space<vmem>>) target(%dma_start3A_242 : memref<200x16xf32, #tpu.memory_space<hbm>>) target_semaphore(%arg9 : memref<!tpu.dma_semaphore, #tpu.memory_space<semaphore_mem>>)
    %dma_wait3A_243 = arith.constant 0 : i32
    %dma_wait3A_244 = tpu.memref_slice %arg3[%add3A_238, %dma_wait3A_243] : memref<160000x16xf32, #tpu.memory_space<hbm>> -> memref<200x16xf32, #tpu.memory_space<hbm>>
    %dma_wait3A_245 = arith.constant 0 : i32
    %dma_wait3A_246 = tpu.memref_slice %arg3[%add3A_238, %dma_wait3A_245] : memref<160000x16xf32, #tpu.memory_space<hbm>> -> memref<200x16xf32, #tpu.memory_space<hbm>>
    tpu.wait_dma2 semaphore(%arg9 : memref<!tpu.dma_semaphore, #tpu.memory_space<semaphore_mem>>) src(%arg5 : memref<200x16xf32, #tpu.memory_space<vmem>>) dst(%dma_wait3A_246 : memref<200x16xf32, #tpu.memory_space<hbm>>)
    %add3A_247 = arith.constant 2600 : i32
    %add3A_248 = arith.addi %mul3A_2, %add3A_247 : i32
    %dma_start3A_249 = arith.constant 0 : i32
    %dma_start3A_250 = tpu.memref_slice %arg2[%add3A_248, %dma_start3A_249] : memref<160000x16xf32, #tpu.memory_space<hbm>> -> memref<200x16xf32, #tpu.memory_space<hbm>>
    %dma_start3A_251 = arith.constant 0 : i32
    %dma_start3A_252 = tpu.memref_slice %arg2[%add3A_248, %dma_start3A_251] : memref<160000x16xf32, #tpu.memory_space<hbm>> -> memref<200x16xf32, #tpu.memory_space<hbm>>
    tpu.enqueue_dma source(%dma_start3A_252 : memref<200x16xf32, #tpu.memory_space<hbm>>) target(%arg5 : memref<200x16xf32, #tpu.memory_space<vmem>>) target_semaphore(%arg7 : memref<!tpu.dma_semaphore, #tpu.memory_space<semaphore_mem>>)
    %dma_wait3A_253 = arith.constant 0 : i32
    %dma_wait3A_254 = tpu.memref_slice %arg2[%add3A_228, %dma_wait3A_253] : memref<160000x16xf32, #tpu.memory_space<hbm>> -> memref<200x16xf32, #tpu.memory_space<hbm>>
    %dma_wait3A_255 = arith.constant 0 : i32
    %dma_wait3A_256 = tpu.memref_slice %arg2[%add3A_228, %dma_wait3A_255] : memref<160000x16xf32, #tpu.memory_space<hbm>> -> memref<200x16xf32, #tpu.memory_space<hbm>>
    tpu.wait_dma2 semaphore(%arg6 : memref<!tpu.dma_semaphore, #tpu.memory_space<semaphore_mem>>) src(%dma_wait3A_256 : memref<200x16xf32, #tpu.memory_space<hbm>>) dst(%arg4 : memref<200x16xf32, #tpu.memory_space<vmem>>)
    %add3A_257 = arith.constant 2400 : i32
    %add3A_258 = arith.addi %mul3A_2, %add3A_257 : i32
    %dma_start3A_259 = arith.constant 0 : i32
    %dma_start3A_260 = tpu.memref_slice %arg3[%add3A_258, %dma_start3A_259] : memref<160000x16xf32, #tpu.memory_space<hbm>> -> memref<200x16xf32, #tpu.memory_space<hbm>>
    %dma_start3A_261 = arith.constant 0 : i32
    %dma_start3A_262 = tpu.memref_slice %arg3[%add3A_258, %dma_start3A_261] : memref<160000x16xf32, #tpu.memory_space<hbm>> -> memref<200x16xf32, #tpu.memory_space<hbm>>
    tpu.enqueue_dma source(%arg4 : memref<200x16xf32, #tpu.memory_space<vmem>>) target(%dma_start3A_262 : memref<200x16xf32, #tpu.memory_space<hbm>>) target_semaphore(%arg8 : memref<!tpu.dma_semaphore, #tpu.memory_space<semaphore_mem>>)
    %dma_wait3A_263 = arith.constant 0 : i32
    %dma_wait3A_264 = tpu.memref_slice %arg3[%add3A_258, %dma_wait3A_263] : memref<160000x16xf32, #tpu.memory_space<hbm>> -> memref<200x16xf32, #tpu.memory_space<hbm>>
    %dma_wait3A_265 = arith.constant 0 : i32
    %dma_wait3A_266 = tpu.memref_slice %arg3[%add3A_258, %dma_wait3A_265] : memref<160000x16xf32, #tpu.memory_space<hbm>> -> memref<200x16xf32, #tpu.memory_space<hbm>>
    tpu.wait_dma2 semaphore(%arg8 : memref<!tpu.dma_semaphore, #tpu.memory_space<semaphore_mem>>) src(%arg4 : memref<200x16xf32, #tpu.memory_space<vmem>>) dst(%dma_wait3A_266 : memref<200x16xf32, #tpu.memory_space<hbm>>)
    %add3A_267 = arith.constant 2800 : i32
    %add3A_268 = arith.addi %mul3A_2, %add3A_267 : i32
    %dma_start3A_269 = arith.constant 0 : i32
    %dma_start3A_270 = tpu.memref_slice %arg2[%add3A_268, %dma_start3A_269] : memref<160000x16xf32, #tpu.memory_space<hbm>> -> memref<200x16xf32, #tpu.memory_space<hbm>>
    %dma_start3A_271 = arith.constant 0 : i32
    %dma_start3A_272 = tpu.memref_slice %arg2[%add3A_268, %dma_start3A_271] : memref<160000x16xf32, #tpu.memory_space<hbm>> -> memref<200x16xf32, #tpu.memory_space<hbm>>
    tpu.enqueue_dma source(%dma_start3A_272 : memref<200x16xf32, #tpu.memory_space<hbm>>) target(%arg4 : memref<200x16xf32, #tpu.memory_space<vmem>>) target_semaphore(%arg6 : memref<!tpu.dma_semaphore, #tpu.memory_space<semaphore_mem>>)
    %dma_wait3A_273 = arith.constant 0 : i32
    %dma_wait3A_274 = tpu.memref_slice %arg2[%add3A_248, %dma_wait3A_273] : memref<160000x16xf32, #tpu.memory_space<hbm>> -> memref<200x16xf32, #tpu.memory_space<hbm>>
    %dma_wait3A_275 = arith.constant 0 : i32
    %dma_wait3A_276 = tpu.memref_slice %arg2[%add3A_248, %dma_wait3A_275] : memref<160000x16xf32, #tpu.memory_space<hbm>> -> memref<200x16xf32, #tpu.memory_space<hbm>>
    tpu.wait_dma2 semaphore(%arg7 : memref<!tpu.dma_semaphore, #tpu.memory_space<semaphore_mem>>) src(%dma_wait3A_276 : memref<200x16xf32, #tpu.memory_space<hbm>>) dst(%arg5 : memref<200x16xf32, #tpu.memory_space<vmem>>)
    %add3A_277 = arith.constant 2600 : i32
    %add3A_278 = arith.addi %mul3A_2, %add3A_277 : i32
    %dma_start3A_279 = arith.constant 0 : i32
    %dma_start3A_280 = tpu.memref_slice %arg3[%add3A_278, %dma_start3A_279] : memref<160000x16xf32, #tpu.memory_space<hbm>> -> memref<200x16xf32, #tpu.memory_space<hbm>>
    %dma_start3A_281 = arith.constant 0 : i32
    %dma_start3A_282 = tpu.memref_slice %arg3[%add3A_278, %dma_start3A_281] : memref<160000x16xf32, #tpu.memory_space<hbm>> -> memref<200x16xf32, #tpu.memory_space<hbm>>
    tpu.enqueue_dma source(%arg5 : memref<200x16xf32, #tpu.memory_space<vmem>>) target(%dma_start3A_282 : memref<200x16xf32, #tpu.memory_space<hbm>>) target_semaphore(%arg9 : memref<!tpu.dma_semaphore, #tpu.memory_space<semaphore_mem>>)
    %dma_wait3A_283 = arith.constant 0 : i32
    %dma_wait3A_284 = tpu.memref_slice %arg3[%add3A_278, %dma_wait3A_283] : memref<160000x16xf32, #tpu.memory_space<hbm>> -> memref<200x16xf32, #tpu.memory_space<hbm>>
    %dma_wait3A_285 = arith.constant 0 : i32
    %dma_wait3A_286 = tpu.memref_slice %arg3[%add3A_278, %dma_wait3A_285] : memref<160000x16xf32, #tpu.memory_space<hbm>> -> memref<200x16xf32, #tpu.memory_space<hbm>>
    tpu.wait_dma2 semaphore(%arg9 : memref<!tpu.dma_semaphore, #tpu.memory_space<semaphore_mem>>) src(%arg5 : memref<200x16xf32, #tpu.memory_space<vmem>>) dst(%dma_wait3A_286 : memref<200x16xf32, #tpu.memory_space<hbm>>)
    %add3A_287 = arith.constant 3000 : i32
    %add3A_288 = arith.addi %mul3A_2, %add3A_287 : i32
    %dma_start3A_289 = arith.constant 0 : i32
    %dma_start3A_290 = tpu.memref_slice %arg2[%add3A_288, %dma_start3A_289] : memref<160000x16xf32, #tpu.memory_space<hbm>> -> memref<200x16xf32, #tpu.memory_space<hbm>>
    %dma_start3A_291 = arith.constant 0 : i32
    %dma_start3A_292 = tpu.memref_slice %arg2[%add3A_288, %dma_start3A_291] : memref<160000x16xf32, #tpu.memory_space<hbm>> -> memref<200x16xf32, #tpu.memory_space<hbm>>
    tpu.enqueue_dma source(%dma_start3A_292 : memref<200x16xf32, #tpu.memory_space<hbm>>) target(%arg5 : memref<200x16xf32, #tpu.memory_space<vmem>>) target_semaphore(%arg7 : memref<!tpu.dma_semaphore, #tpu.memory_space<semaphore_mem>>)
    %dma_wait3A_293 = arith.constant 0 : i32
    %dma_wait3A_294 = tpu.memref_slice %arg2[%add3A_268, %dma_wait3A_293] : memref<160000x16xf32, #tpu.memory_space<hbm>> -> memref<200x16xf32, #tpu.memory_space<hbm>>
    %dma_wait3A_295 = arith.constant 0 : i32
    %dma_wait3A_296 = tpu.memref_slice %arg2[%add3A_268, %dma_wait3A_295] : memref<160000x16xf32, #tpu.memory_space<hbm>> -> memref<200x16xf32, #tpu.memory_space<hbm>>
    tpu.wait_dma2 semaphore(%arg6 : memref<!tpu.dma_semaphore, #tpu.memory_space<semaphore_mem>>) src(%dma_wait3A_296 : memref<200x16xf32, #tpu.memory_space<hbm>>) dst(%arg4 : memref<200x16xf32, #tpu.memory_space<vmem>>)
    %add3A_297 = arith.constant 2800 : i32
    %add3A_298 = arith.addi %mul3A_2, %add3A_297 : i32
    %dma_start3A_299 = arith.constant 0 : i32
    %dma_start3A_300 = tpu.memref_slice %arg3[%add3A_298, %dma_start3A_299] : memref<160000x16xf32, #tpu.memory_space<hbm>> -> memref<200x16xf32, #tpu.memory_space<hbm>>
    %dma_start3A_301 = arith.constant 0 : i32
    %dma_start3A_302 = tpu.memref_slice %arg3[%add3A_298, %dma_start3A_301] : memref<160000x16xf32, #tpu.memory_space<hbm>> -> memref<200x16xf32, #tpu.memory_space<hbm>>
    tpu.enqueue_dma source(%arg4 : memref<200x16xf32, #tpu.memory_space<vmem>>) target(%dma_start3A_302 : memref<200x16xf32, #tpu.memory_space<hbm>>) target_semaphore(%arg8 : memref<!tpu.dma_semaphore, #tpu.memory_space<semaphore_mem>>)
    %dma_wait3A_303 = arith.constant 0 : i32
    %dma_wait3A_304 = tpu.memref_slice %arg3[%add3A_298, %dma_wait3A_303] : memref<160000x16xf32, #tpu.memory_space<hbm>> -> memref<200x16xf32, #tpu.memory_space<hbm>>
    %dma_wait3A_305 = arith.constant 0 : i32
    %dma_wait3A_306 = tpu.memref_slice %arg3[%add3A_298, %dma_wait3A_305] : memref<160000x16xf32, #tpu.memory_space<hbm>> -> memref<200x16xf32, #tpu.memory_space<hbm>>
    tpu.wait_dma2 semaphore(%arg8 : memref<!tpu.dma_semaphore, #tpu.memory_space<semaphore_mem>>) src(%arg4 : memref<200x16xf32, #tpu.memory_space<vmem>>) dst(%dma_wait3A_306 : memref<200x16xf32, #tpu.memory_space<hbm>>)
    %add3A_307 = arith.constant 3200 : i32
    %add3A_308 = arith.addi %mul3A_2, %add3A_307 : i32
    %dma_start3A_309 = arith.constant 0 : i32
    %dma_start3A_310 = tpu.memref_slice %arg2[%add3A_308, %dma_start3A_309] : memref<160000x16xf32, #tpu.memory_space<hbm>> -> memref<200x16xf32, #tpu.memory_space<hbm>>
    %dma_start3A_311 = arith.constant 0 : i32
    %dma_start3A_312 = tpu.memref_slice %arg2[%add3A_308, %dma_start3A_311] : memref<160000x16xf32, #tpu.memory_space<hbm>> -> memref<200x16xf32, #tpu.memory_space<hbm>>
    tpu.enqueue_dma source(%dma_start3A_312 : memref<200x16xf32, #tpu.memory_space<hbm>>) target(%arg4 : memref<200x16xf32, #tpu.memory_space<vmem>>) target_semaphore(%arg6 : memref<!tpu.dma_semaphore, #tpu.memory_space<semaphore_mem>>)
    %dma_wait3A_313 = arith.constant 0 : i32
    %dma_wait3A_314 = tpu.memref_slice %arg2[%add3A_288, %dma_wait3A_313] : memref<160000x16xf32, #tpu.memory_space<hbm>> -> memref<200x16xf32, #tpu.memory_space<hbm>>
    %dma_wait3A_315 = arith.constant 0 : i32
    %dma_wait3A_316 = tpu.memref_slice %arg2[%add3A_288, %dma_wait3A_315] : memref<160000x16xf32, #tpu.memory_space<hbm>> -> memref<200x16xf32, #tpu.memory_space<hbm>>
    tpu.wait_dma2 semaphore(%arg7 : memref<!tpu.dma_semaphore, #tpu.memory_space<semaphore_mem>>) src(%dma_wait3A_316 : memref<200x16xf32, #tpu.memory_space<hbm>>) dst(%arg5 : memref<200x16xf32, #tpu.memory_space<vmem>>)
    %add3A_317 = arith.constant 3000 : i32
    %add3A_318 = arith.addi %mul3A_2, %add3A_317 : i32
    %dma_start3A_319 = arith.constant 0 : i32
    %dma_start3A_320 = tpu.memref_slice %arg3[%add3A_318, %dma_start3A_319] : memref<160000x16xf32, #tpu.memory_space<hbm>> -> memref<200x16xf32, #tpu.memory_space<hbm>>
    %dma_start3A_321 = arith.constant 0 : i32
    %dma_start3A_322 = tpu.memref_slice %arg3[%add3A_318, %dma_start3A_321] : memref<160000x16xf32, #tpu.memory_space<hbm>> -> memref<200x16xf32, #tpu.memory_space<hbm>>
    tpu.enqueue_dma source(%arg5 : memref<200x16xf32, #tpu.memory_space<vmem>>) target(%dma_start3A_322 : memref<200x16xf32, #tpu.memory_space<hbm>>) target_semaphore(%arg9 : memref<!tpu.dma_semaphore, #tpu.memory_space<semaphore_mem>>)
    %dma_wait3A_323 = arith.constant 0 : i32
    %dma_wait3A_324 = tpu.memref_slice %arg3[%add3A_318, %dma_wait3A_323] : memref<160000x16xf32, #tpu.memory_space<hbm>> -> memref<200x16xf32, #tpu.memory_space<hbm>>
    %dma_wait3A_325 = arith.constant 0 : i32
    %dma_wait3A_326 = tpu.memref_slice %arg3[%add3A_318, %dma_wait3A_325] : memref<160000x16xf32, #tpu.memory_space<hbm>> -> memref<200x16xf32, #tpu.memory_space<hbm>>
    tpu.wait_dma2 semaphore(%arg9 : memref<!tpu.dma_semaphore, #tpu.memory_space<semaphore_mem>>) src(%arg5 : memref<200x16xf32, #tpu.memory_space<vmem>>) dst(%dma_wait3A_326 : memref<200x16xf32, #tpu.memory_space<hbm>>)
    %add3A_327 = arith.constant 3400 : i32
    %add3A_328 = arith.addi %mul3A_2, %add3A_327 : i32
    %dma_start3A_329 = arith.constant 0 : i32
    %dma_start3A_330 = tpu.memref_slice %arg2[%add3A_328, %dma_start3A_329] : memref<160000x16xf32, #tpu.memory_space<hbm>> -> memref<200x16xf32, #tpu.memory_space<hbm>>
    %dma_start3A_331 = arith.constant 0 : i32
    %dma_start3A_332 = tpu.memref_slice %arg2[%add3A_328, %dma_start3A_331] : memref<160000x16xf32, #tpu.memory_space<hbm>> -> memref<200x16xf32, #tpu.memory_space<hbm>>
    tpu.enqueue_dma source(%dma_start3A_332 : memref<200x16xf32, #tpu.memory_space<hbm>>) target(%arg5 : memref<200x16xf32, #tpu.memory_space<vmem>>) target_semaphore(%arg7 : memref<!tpu.dma_semaphore, #tpu.memory_space<semaphore_mem>>)
    %dma_wait3A_333 = arith.constant 0 : i32
    %dma_wait3A_334 = tpu.memref_slice %arg2[%add3A_308, %dma_wait3A_333] : memref<160000x16xf32, #tpu.memory_space<hbm>> -> memref<200x16xf32, #tpu.memory_space<hbm>>
    %dma_wait3A_335 = arith.constant 0 : i32
    %dma_wait3A_336 = tpu.memref_slice %arg2[%add3A_308, %dma_wait3A_335] : memref<160000x16xf32, #tpu.memory_space<hbm>> -> memref<200x16xf32, #tpu.memory_space<hbm>>
    tpu.wait_dma2 semaphore(%arg6 : memref<!tpu.dma_semaphore, #tpu.memory_space<semaphore_mem>>) src(%dma_wait3A_336 : memref<200x16xf32, #tpu.memory_space<hbm>>) dst(%arg4 : memref<200x16xf32, #tpu.memory_space<vmem>>)
    %add3A_337 = arith.constant 3200 : i32
    %add3A_338 = arith.addi %mul3A_2, %add3A_337 : i32
    %dma_start3A_339 = arith.constant 0 : i32
    %dma_start3A_340 = tpu.memref_slice %arg3[%add3A_338, %dma_start3A_339] : memref<160000x16xf32, #tpu.memory_space<hbm>> -> memref<200x16xf32, #tpu.memory_space<hbm>>
    %dma_start3A_341 = arith.constant 0 : i32
    %dma_start3A_342 = tpu.memref_slice %arg3[%add3A_338, %dma_start3A_341] : memref<160000x16xf32, #tpu.memory_space<hbm>> -> memref<200x16xf32, #tpu.memory_space<hbm>>
    tpu.enqueue_dma source(%arg4 : memref<200x16xf32, #tpu.memory_space<vmem>>) target(%dma_start3A_342 : memref<200x16xf32, #tpu.memory_space<hbm>>) target_semaphore(%arg8 : memref<!tpu.dma_semaphore, #tpu.memory_space<semaphore_mem>>)
    %dma_wait3A_343 = arith.constant 0 : i32
    %dma_wait3A_344 = tpu.memref_slice %arg3[%add3A_338, %dma_wait3A_343] : memref<160000x16xf32, #tpu.memory_space<hbm>> -> memref<200x16xf32, #tpu.memory_space<hbm>>
    %dma_wait3A_345 = arith.constant 0 : i32
    %dma_wait3A_346 = tpu.memref_slice %arg3[%add3A_338, %dma_wait3A_345] : memref<160000x16xf32, #tpu.memory_space<hbm>> -> memref<200x16xf32, #tpu.memory_space<hbm>>
    tpu.wait_dma2 semaphore(%arg8 : memref<!tpu.dma_semaphore, #tpu.memory_space<semaphore_mem>>) src(%arg4 : memref<200x16xf32, #tpu.memory_space<vmem>>) dst(%dma_wait3A_346 : memref<200x16xf32, #tpu.memory_space<hbm>>)
    %add3A_347 = arith.constant 3600 : i32
    %add3A_348 = arith.addi %mul3A_2, %add3A_347 : i32
    %dma_start3A_349 = arith.constant 0 : i32
    %dma_start3A_350 = tpu.memref_slice %arg2[%add3A_348, %dma_start3A_349] : memref<160000x16xf32, #tpu.memory_space<hbm>> -> memref<200x16xf32, #tpu.memory_space<hbm>>
    %dma_start3A_351 = arith.constant 0 : i32
    %dma_start3A_352 = tpu.memref_slice %arg2[%add3A_348, %dma_start3A_351] : memref<160000x16xf32, #tpu.memory_space<hbm>> -> memref<200x16xf32, #tpu.memory_space<hbm>>
    tpu.enqueue_dma source(%dma_start3A_352 : memref<200x16xf32, #tpu.memory_space<hbm>>) target(%arg4 : memref<200x16xf32, #tpu.memory_space<vmem>>) target_semaphore(%arg6 : memref<!tpu.dma_semaphore, #tpu.memory_space<semaphore_mem>>)
    %dma_wait3A_353 = arith.constant 0 : i32
    %dma_wait3A_354 = tpu.memref_slice %arg2[%add3A_328, %dma_wait3A_353] : memref<160000x16xf32, #tpu.memory_space<hbm>> -> memref<200x16xf32, #tpu.memory_space<hbm>>
    %dma_wait3A_355 = arith.constant 0 : i32
    %dma_wait3A_356 = tpu.memref_slice %arg2[%add3A_328, %dma_wait3A_355] : memref<160000x16xf32, #tpu.memory_space<hbm>> -> memref<200x16xf32, #tpu.memory_space<hbm>>
    tpu.wait_dma2 semaphore(%arg7 : memref<!tpu.dma_semaphore, #tpu.memory_space<semaphore_mem>>) src(%dma_wait3A_356 : memref<200x16xf32, #tpu.memory_space<hbm>>) dst(%arg5 : memref<200x16xf32, #tpu.memory_space<vmem>>)
    %add3A_357 = arith.constant 3400 : i32
    %add3A_358 = arith.addi %mul3A_2, %add3A_357 : i32
    %dma_start3A_359 = arith.constant 0 : i32
    %dma_start3A_360 = tpu.memref_slice %arg3[%add3A_358, %dma_start3A_359] : memref<160000x16xf32, #tpu.memory_space<hbm>> -> memref<200x16xf32, #tpu.memory_space<hbm>>
    %dma_start3A_361 = arith.constant 0 : i32
    %dma_start3A_362 = tpu.memref_slice %arg3[%add3A_358, %dma_start3A_361] : memref<160000x16xf32, #tpu.memory_space<hbm>> -> memref<200x16xf32, #tpu.memory_space<hbm>>
    tpu.enqueue_dma source(%arg5 : memref<200x16xf32, #tpu.memory_space<vmem>>) target(%dma_start3A_362 : memref<200x16xf32, #tpu.memory_space<hbm>>) target_semaphore(%arg9 : memref<!tpu.dma_semaphore, #tpu.memory_space<semaphore_mem>>)
    %dma_wait3A_363 = arith.constant 0 : i32
    %dma_wait3A_364 = tpu.memref_slice %arg3[%add3A_358, %dma_wait3A_363] : memref<160000x16xf32, #tpu.memory_space<hbm>> -> memref<200x16xf32, #tpu.memory_space<hbm>>
    %dma_wait3A_365 = arith.constant 0 : i32
    %dma_wait3A_366 = tpu.memref_slice %arg3[%add3A_358, %dma_wait3A_365] : memref<160000x16xf32, #tpu.memory_space<hbm>> -> memref<200x16xf32, #tpu.memory_space<hbm>>
    tpu.wait_dma2 semaphore(%arg9 : memref<!tpu.dma_semaphore, #tpu.memory_space<semaphore_mem>>) src(%arg5 : memref<200x16xf32, #tpu.memory_space<vmem>>) dst(%dma_wait3A_366 : memref<200x16xf32, #tpu.memory_space<hbm>>)
    %add3A_367 = arith.constant 3800 : i32
    %add3A_368 = arith.addi %mul3A_2, %add3A_367 : i32
    %dma_start3A_369 = arith.constant 0 : i32
    %dma_start3A_370 = tpu.memref_slice %arg2[%add3A_368, %dma_start3A_369] : memref<160000x16xf32, #tpu.memory_space<hbm>> -> memref<200x16xf32, #tpu.memory_space<hbm>>
    %dma_start3A_371 = arith.constant 0 : i32
    %dma_start3A_372 = tpu.memref_slice %arg2[%add3A_368, %dma_start3A_371] : memref<160000x16xf32, #tpu.memory_space<hbm>> -> memref<200x16xf32, #tpu.memory_space<hbm>>
    tpu.enqueue_dma source(%dma_start3A_372 : memref<200x16xf32, #tpu.memory_space<hbm>>) target(%arg5 : memref<200x16xf32, #tpu.memory_space<vmem>>) target_semaphore(%arg7 : memref<!tpu.dma_semaphore, #tpu.memory_space<semaphore_mem>>)
    %dma_wait3A_373 = arith.constant 0 : i32
    %dma_wait3A_374 = tpu.memref_slice %arg2[%add3A_348, %dma_wait3A_373] : memref<160000x16xf32, #tpu.memory_space<hbm>> -> memref<200x16xf32, #tpu.memory_space<hbm>>
    %dma_wait3A_375 = arith.constant 0 : i32
    %dma_wait3A_376 = tpu.memref_slice %arg2[%add3A_348, %dma_wait3A_375] : memref<160000x16xf32, #tpu.memory_space<hbm>> -> memref<200x16xf32, #tpu.memory_space<hbm>>
    tpu.wait_dma2 semaphore(%arg6 : memref<!tpu.dma_semaphore, #tpu.memory_space<semaphore_mem>>) src(%dma_wait3A_376 : memref<200x16xf32, #tpu.memory_space<hbm>>) dst(%arg4 : memref<200x16xf32, #tpu.memory_space<vmem>>)
    %add3A_377 = arith.constant 3600 : i32
    %add3A_378 = arith.addi %mul3A_2, %add3A_377 : i32
    %dma_start3A_379 = arith.constant 0 : i32
    %dma_start3A_380 = tpu.memref_slice %arg3[%add3A_378, %dma_start3A_379] : memref<160000x16xf32, #tpu.memory_space<hbm>> -> memref<200x16xf32, #tpu.memory_space<hbm>>
    %dma_start3A_381 = arith.constant 0 : i32
    %dma_start3A_382 = tpu.memref_slice %arg3[%add3A_378, %dma_start3A_381] : memref<160000x16xf32, #tpu.memory_space<hbm>> -> memref<200x16xf32, #tpu.memory_space<hbm>>
    tpu.enqueue_dma source(%arg4 : memref<200x16xf32, #tpu.memory_space<vmem>>) target(%dma_start3A_382 : memref<200x16xf32, #tpu.memory_space<hbm>>) target_semaphore(%arg8 : memref<!tpu.dma_semaphore, #tpu.memory_space<semaphore_mem>>)
    %dma_wait3A_383 = arith.constant 0 : i32
    %dma_wait3A_384 = tpu.memref_slice %arg3[%add3A_378, %dma_wait3A_383] : memref<160000x16xf32, #tpu.memory_space<hbm>> -> memref<200x16xf32, #tpu.memory_space<hbm>>
    %dma_wait3A_385 = arith.constant 0 : i32
    %dma_wait3A_386 = tpu.memref_slice %arg3[%add3A_378, %dma_wait3A_385] : memref<160000x16xf32, #tpu.memory_space<hbm>> -> memref<200x16xf32, #tpu.memory_space<hbm>>
    tpu.wait_dma2 semaphore(%arg8 : memref<!tpu.dma_semaphore, #tpu.memory_space<semaphore_mem>>) src(%arg4 : memref<200x16xf32, #tpu.memory_space<vmem>>) dst(%dma_wait3A_386 : memref<200x16xf32, #tpu.memory_space<hbm>>)
    %add3A_387 = arith.constant 4000 : i32
    %add3A_388 = arith.addi %mul3A_2, %add3A_387 : i32
    %dma_start3A_389 = arith.constant 0 : i32
    %dma_start3A_390 = tpu.memref_slice %arg2[%add3A_388, %dma_start3A_389] : memref<160000x16xf32, #tpu.memory_space<hbm>> -> memref<200x16xf32, #tpu.memory_space<hbm>>
    %dma_start3A_391 = arith.constant 0 : i32
    %dma_start3A_392 = tpu.memref_slice %arg2[%add3A_388, %dma_start3A_391] : memref<160000x16xf32, #tpu.memory_space<hbm>> -> memref<200x16xf32, #tpu.memory_space<hbm>>
    tpu.enqueue_dma source(%dma_start3A_392 : memref<200x16xf32, #tpu.memory_space<hbm>>) target(%arg4 : memref<200x16xf32, #tpu.memory_space<vmem>>) target_semaphore(%arg6 : memref<!tpu.dma_semaphore, #tpu.memory_space<semaphore_mem>>)
    %dma_wait3A_393 = arith.constant 0 : i32
    %dma_wait3A_394 = tpu.memref_slice %arg2[%add3A_368, %dma_wait3A_393] : memref<160000x16xf32, #tpu.memory_space<hbm>> -> memref<200x16xf32, #tpu.memory_space<hbm>>
    %dma_wait3A_395 = arith.constant 0 : i32
    %dma_wait3A_396 = tpu.memref_slice %arg2[%add3A_368, %dma_wait3A_395] : memref<160000x16xf32, #tpu.memory_space<hbm>> -> memref<200x16xf32, #tpu.memory_space<hbm>>
    tpu.wait_dma2 semaphore(%arg7 : memref<!tpu.dma_semaphore, #tpu.memory_space<semaphore_mem>>) src(%dma_wait3A_396 : memref<200x16xf32, #tpu.memory_space<hbm>>) dst(%arg5 : memref<200x16xf32, #tpu.memory_space<vmem>>)
    %add3A_397 = arith.constant 3800 : i32
    %add3A_398 = arith.addi %mul3A_2, %add3A_397 : i32
    %dma_start3A_399 = arith.constant 0 : i32
    %dma_start3A_400 = tpu.memref_slice %arg3[%add3A_398, %dma_start3A_399] : memref<160000x16xf32, #tpu.memory_space<hbm>> -> memref<200x16xf32, #tpu.memory_space<hbm>>
    %dma_start3A_401 = arith.constant 0 : i32
    %dma_start3A_402 = tpu.memref_slice %arg3[%add3A_398, %dma_start3A_401] : memref<160000x16xf32, #tpu.memory_space<hbm>> -> memref<200x16xf32, #tpu.memory_space<hbm>>
    tpu.enqueue_dma source(%arg5 : memref<200x16xf32, #tpu.memory_space<vmem>>) target(%dma_start3A_402 : memref<200x16xf32, #tpu.memory_space<hbm>>) target_semaphore(%arg9 : memref<!tpu.dma_semaphore, #tpu.memory_space<semaphore_mem>>)
    %dma_wait3A_403 = arith.constant 0 : i32
    %dma_wait3A_404 = tpu.memref_slice %arg3[%add3A_398, %dma_wait3A_403] : memref<160000x16xf32, #tpu.memory_space<hbm>> -> memref<200x16xf32, #tpu.memory_space<hbm>>
    %dma_wait3A_405 = arith.constant 0 : i32
    %dma_wait3A_406 = tpu.memref_slice %arg3[%add3A_398, %dma_wait3A_405] : memref<160000x16xf32, #tpu.memory_space<hbm>> -> memref<200x16xf32, #tpu.memory_space<hbm>>
    tpu.wait_dma2 semaphore(%arg9 : memref<!tpu.dma_semaphore, #tpu.memory_space<semaphore_mem>>) src(%arg5 : memref<200x16xf32, #tpu.memory_space<vmem>>) dst(%dma_wait3A_406 : memref<200x16xf32, #tpu.memory_space<hbm>>)
    %add3A_407 = arith.constant 4200 : i32
    %add3A_408 = arith.addi %mul3A_2, %add3A_407 : i32
    %dma_start3A_409 = arith.constant 0 : i32
    %dma_start3A_410 = tpu.memref_slice %arg2[%add3A_408, %dma_start3A_409] : memref<160000x16xf32, #tpu.memory_space<hbm>> -> memref<200x16xf32, #tpu.memory_space<hbm>>
    %dma_start3A_411 = arith.constant 0 : i32
    %dma_start3A_412 = tpu.memref_slice %arg2[%add3A_408, %dma_start3A_411] : memref<160000x16xf32, #tpu.memory_space<hbm>> -> memref<200x16xf32, #tpu.memory_space<hbm>>
    tpu.enqueue_dma source(%dma_start3A_412 : memref<200x16xf32, #tpu.memory_space<hbm>>) target(%arg5 : memref<200x16xf32, #tpu.memory_space<vmem>>) target_semaphore(%arg7 : memref<!tpu.dma_semaphore, #tpu.memory_space<semaphore_mem>>)
    %dma_wait3A_413 = arith.constant 0 : i32
    %dma_wait3A_414 = tpu.memref_slice %arg2[%add3A_388, %dma_wait3A_413] : memref<160000x16xf32, #tpu.memory_space<hbm>> -> memref<200x16xf32, #tpu.memory_space<hbm>>
    %dma_wait3A_415 = arith.constant 0 : i32
    %dma_wait3A_416 = tpu.memref_slice %arg2[%add3A_388, %dma_wait3A_415] : memref<160000x16xf32, #tpu.memory_space<hbm>> -> memref<200x16xf32, #tpu.memory_space<hbm>>
    tpu.wait_dma2 semaphore(%arg6 : memref<!tpu.dma_semaphore, #tpu.memory_space<semaphore_mem>>) src(%dma_wait3A_416 : memref<200x16xf32, #tpu.memory_space<hbm>>) dst(%arg4 : memref<200x16xf32, #tpu.memory_space<vmem>>)
    %add3A_417 = arith.constant 4000 : i32
    %add3A_418 = arith.addi %mul3A_2, %add3A_417 : i32
    %dma_start3A_419 = arith.constant 0 : i32
    %dma_start3A_420 = tpu.memref_slice %arg3[%add3A_418, %dma_start3A_419] : memref<160000x16xf32, #tpu.memory_space<hbm>> -> memref<200x16xf32, #tpu.memory_space<hbm>>
    %dma_start3A_421 = arith.constant 0 : i32
    %dma_start3A_422 = tpu.memref_slice %arg3[%add3A_418, %dma_start3A_421] : memref<160000x16xf32, #tpu.memory_space<hbm>> -> memref<200x16xf32, #tpu.memory_space<hbm>>
    tpu.enqueue_dma source(%arg4 : memref<200x16xf32, #tpu.memory_space<vmem>>) target(%dma_start3A_422 : memref<200x16xf32, #tpu.memory_space<hbm>>) target_semaphore(%arg8 : memref<!tpu.dma_semaphore, #tpu.memory_space<semaphore_mem>>)
    %dma_wait3A_423 = arith.constant 0 : i32
    %dma_wait3A_424 = tpu.memref_slice %arg3[%add3A_418, %dma_wait3A_423] : memref<160000x16xf32, #tpu.memory_space<hbm>> -> memref<200x16xf32, #tpu.memory_space<hbm>>
    %dma_wait3A_425 = arith.constant 0 : i32
    %dma_wait3A_426 = tpu.memref_slice %arg3[%add3A_418, %dma_wait3A_425] : memref<160000x16xf32, #tpu.memory_space<hbm>> -> memref<200x16xf32, #tpu.memory_space<hbm>>
    tpu.wait_dma2 semaphore(%arg8 : memref<!tpu.dma_semaphore, #tpu.memory_space<semaphore_mem>>) src(%arg4 : memref<200x16xf32, #tpu.memory_space<vmem>>) dst(%dma_wait3A_426 : memref<200x16xf32, #tpu.memory_space<hbm>>)
    %add3A_427 = arith.constant 4400 : i32
    %add3A_428 = arith.addi %mul3A_2, %add3A_427 : i32
    %dma_start3A_429 = arith.constant 0 : i32
    %dma_start3A_430 = tpu.memref_slice %arg2[%add3A_428, %dma_start3A_429] : memref<160000x16xf32, #tpu.memory_space<hbm>> -> memref<200x16xf32, #tpu.memory_space<hbm>>
    %dma_start3A_431 = arith.constant 0 : i32
    %dma_start3A_432 = tpu.memref_slice %arg2[%add3A_428, %dma_start3A_431] : memref<160000x16xf32, #tpu.memory_space<hbm>> -> memref<200x16xf32, #tpu.memory_space<hbm>>
    tpu.enqueue_dma source(%dma_start3A_432 : memref<200x16xf32, #tpu.memory_space<hbm>>) target(%arg4 : memref<200x16xf32, #tpu.memory_space<vmem>>) target_semaphore(%arg6 : memref<!tpu.dma_semaphore, #tpu.memory_space<semaphore_mem>>)
    %dma_wait3A_433 = arith.constant 0 : i32
    %dma_wait3A_434 = tpu.memref_slice %arg2[%add3A_408, %dma_wait3A_433] : memref<160000x16xf32, #tpu.memory_space<hbm>> -> memref<200x16xf32, #tpu.memory_space<hbm>>
    %dma_wait3A_435 = arith.constant 0 : i32
    %dma_wait3A_436 = tpu.memref_slice %arg2[%add3A_408, %dma_wait3A_435] : memref<160000x16xf32, #tpu.memory_space<hbm>> -> memref<200x16xf32, #tpu.memory_space<hbm>>
    tpu.wait_dma2 semaphore(%arg7 : memref<!tpu.dma_semaphore, #tpu.memory_space<semaphore_mem>>) src(%dma_wait3A_436 : memref<200x16xf32, #tpu.memory_space<hbm>>) dst(%arg5 : memref<200x16xf32, #tpu.memory_space<vmem>>)
    %add3A_437 = arith.constant 4200 : i32
    %add3A_438 = arith.addi %mul3A_2, %add3A_437 : i32
    %dma_start3A_439 = arith.constant 0 : i32
    %dma_start3A_440 = tpu.memref_slice %arg3[%add3A_438, %dma_start3A_439] : memref<160000x16xf32, #tpu.memory_space<hbm>> -> memref<200x16xf32, #tpu.memory_space<hbm>>
    %dma_start3A_441 = arith.constant 0 : i32
    %dma_start3A_442 = tpu.memref_slice %arg3[%add3A_438, %dma_start3A_441] : memref<160000x16xf32, #tpu.memory_space<hbm>> -> memref<200x16xf32, #tpu.memory_space<hbm>>
    tpu.enqueue_dma source(%arg5 : memref<200x16xf32, #tpu.memory_space<vmem>>) target(%dma_start3A_442 : memref<200x16xf32, #tpu.memory_space<hbm>>) target_semaphore(%arg9 : memref<!tpu.dma_semaphore, #tpu.memory_space<semaphore_mem>>)
    %dma_wait3A_443 = arith.constant 0 : i32
    %dma_wait3A_444 = tpu.memref_slice %arg3[%add3A_438, %dma_wait3A_443] : memref<160000x16xf32, #tpu.memory_space<hbm>> -> memref<200x16xf32, #tpu.memory_space<hbm>>
    %dma_wait3A_445 = arith.constant 0 : i32
    %dma_wait3A_446 = tpu.memref_slice %arg3[%add3A_438, %dma_wait3A_445] : memref<160000x16xf32, #tpu.memory_space<hbm>> -> memref<200x16xf32, #tpu.memory_space<hbm>>
    tpu.wait_dma2 semaphore(%arg9 : memref<!tpu.dma_semaphore, #tpu.memory_space<semaphore_mem>>) src(%arg5 : memref<200x16xf32, #tpu.memory_space<vmem>>) dst(%dma_wait3A_446 : memref<200x16xf32, #tpu.memory_space<hbm>>)
    %add3A_447 = arith.constant 4600 : i32
    %add3A_448 = arith.addi %mul3A_2, %add3A_447 : i32
    %dma_start3A_449 = arith.constant 0 : i32
    %dma_start3A_450 = tpu.memref_slice %arg2[%add3A_448, %dma_start3A_449] : memref<160000x16xf32, #tpu.memory_space<hbm>> -> memref<200x16xf32, #tpu.memory_space<hbm>>
    %dma_start3A_451 = arith.constant 0 : i32
    %dma_start3A_452 = tpu.memref_slice %arg2[%add3A_448, %dma_start3A_451] : memref<160000x16xf32, #tpu.memory_space<hbm>> -> memref<200x16xf32, #tpu.memory_space<hbm>>
    tpu.enqueue_dma source(%dma_start3A_452 : memref<200x16xf32, #tpu.memory_space<hbm>>) target(%arg5 : memref<200x16xf32, #tpu.memory_space<vmem>>) target_semaphore(%arg7 : memref<!tpu.dma_semaphore, #tpu.memory_space<semaphore_mem>>)
    %dma_wait3A_453 = arith.constant 0 : i32
    %dma_wait3A_454 = tpu.memref_slice %arg2[%add3A_428, %dma_wait3A_453] : memref<160000x16xf32, #tpu.memory_space<hbm>> -> memref<200x16xf32, #tpu.memory_space<hbm>>
    %dma_wait3A_455 = arith.constant 0 : i32
    %dma_wait3A_456 = tpu.memref_slice %arg2[%add3A_428, %dma_wait3A_455] : memref<160000x16xf32, #tpu.memory_space<hbm>> -> memref<200x16xf32, #tpu.memory_space<hbm>>
    tpu.wait_dma2 semaphore(%arg6 : memref<!tpu.dma_semaphore, #tpu.memory_space<semaphore_mem>>) src(%dma_wait3A_456 : memref<200x16xf32, #tpu.memory_space<hbm>>) dst(%arg4 : memref<200x16xf32, #tpu.memory_space<vmem>>)
    %add3A_457 = arith.constant 4400 : i32
    %add3A_458 = arith.addi %mul3A_2, %add3A_457 : i32
    %dma_start3A_459 = arith.constant 0 : i32
    %dma_start3A_460 = tpu.memref_slice %arg3[%add3A_458, %dma_start3A_459] : memref<160000x16xf32, #tpu.memory_space<hbm>> -> memref<200x16xf32, #tpu.memory_space<hbm>>
    %dma_start3A_461 = arith.constant 0 : i32
    %dma_start3A_462 = tpu.memref_slice %arg3[%add3A_458, %dma_start3A_461] : memref<160000x16xf32, #tpu.memory_space<hbm>> -> memref<200x16xf32, #tpu.memory_space<hbm>>
    tpu.enqueue_dma source(%arg4 : memref<200x16xf32, #tpu.memory_space<vmem>>) target(%dma_start3A_462 : memref<200x16xf32, #tpu.memory_space<hbm>>) target_semaphore(%arg8 : memref<!tpu.dma_semaphore, #tpu.memory_space<semaphore_mem>>)
    %dma_wait3A_463 = arith.constant 0 : i32
    %dma_wait3A_464 = tpu.memref_slice %arg3[%add3A_458, %dma_wait3A_463] : memref<160000x16xf32, #tpu.memory_space<hbm>> -> memref<200x16xf32, #tpu.memory_space<hbm>>
    %dma_wait3A_465 = arith.constant 0 : i32
    %dma_wait3A_466 = tpu.memref_slice %arg3[%add3A_458, %dma_wait3A_465] : memref<160000x16xf32, #tpu.memory_space<hbm>> -> memref<200x16xf32, #tpu.memory_space<hbm>>
    tpu.wait_dma2 semaphore(%arg8 : memref<!tpu.dma_semaphore, #tpu.memory_space<semaphore_mem>>) src(%arg4 : memref<200x16xf32, #tpu.memory_space<vmem>>) dst(%dma_wait3A_466 : memref<200x16xf32, #tpu.memory_space<hbm>>)
    %add3A_467 = arith.constant 4800 : i32
    %add3A_468 = arith.addi %mul3A_2, %add3A_467 : i32
    %dma_start3A_469 = arith.constant 0 : i32
    %dma_start3A_470 = tpu.memref_slice %arg2[%add3A_468, %dma_start3A_469] : memref<160000x16xf32, #tpu.memory_space<hbm>> -> memref<200x16xf32, #tpu.memory_space<hbm>>
    %dma_start3A_471 = arith.constant 0 : i32
    %dma_start3A_472 = tpu.memref_slice %arg2[%add3A_468, %dma_start3A_471] : memref<160000x16xf32, #tpu.memory_space<hbm>> -> memref<200x16xf32, #tpu.memory_space<hbm>>
    tpu.enqueue_dma source(%dma_start3A_472 : memref<200x16xf32, #tpu.memory_space<hbm>>) target(%arg4 : memref<200x16xf32, #tpu.memory_space<vmem>>) target_semaphore(%arg6 : memref<!tpu.dma_semaphore, #tpu.memory_space<semaphore_mem>>)
    %dma_wait3A_473 = arith.constant 0 : i32
    %dma_wait3A_474 = tpu.memref_slice %arg2[%add3A_448, %dma_wait3A_473] : memref<160000x16xf32, #tpu.memory_space<hbm>> -> memref<200x16xf32, #tpu.memory_space<hbm>>
    %dma_wait3A_475 = arith.constant 0 : i32
    %dma_wait3A_476 = tpu.memref_slice %arg2[%add3A_448, %dma_wait3A_475] : memref<160000x16xf32, #tpu.memory_space<hbm>> -> memref<200x16xf32, #tpu.memory_space<hbm>>
    tpu.wait_dma2 semaphore(%arg7 : memref<!tpu.dma_semaphore, #tpu.memory_space<semaphore_mem>>) src(%dma_wait3A_476 : memref<200x16xf32, #tpu.memory_space<hbm>>) dst(%arg5 : memref<200x16xf32, #tpu.memory_space<vmem>>)
    %add3A_477 = arith.constant 4600 : i32
    %add3A_478 = arith.addi %mul3A_2, %add3A_477 : i32
    %dma_start3A_479 = arith.constant 0 : i32
    %dma_start3A_480 = tpu.memref_slice %arg3[%add3A_478, %dma_start3A_479] : memref<160000x16xf32, #tpu.memory_space<hbm>> -> memref<200x16xf32, #tpu.memory_space<hbm>>
    %dma_start3A_481 = arith.constant 0 : i32
    %dma_start3A_482 = tpu.memref_slice %arg3[%add3A_478, %dma_start3A_481] : memref<160000x16xf32, #tpu.memory_space<hbm>> -> memref<200x16xf32, #tpu.memory_space<hbm>>
    tpu.enqueue_dma source(%arg5 : memref<200x16xf32, #tpu.memory_space<vmem>>) target(%dma_start3A_482 : memref<200x16xf32, #tpu.memory_space<hbm>>) target_semaphore(%arg9 : memref<!tpu.dma_semaphore, #tpu.memory_space<semaphore_mem>>)
    %dma_wait3A_483 = arith.constant 0 : i32
    %dma_wait3A_484 = tpu.memref_slice %arg2[%add3A_468, %dma_wait3A_483] : memref<160000x16xf32, #tpu.memory_space<hbm>> -> memref<200x16xf32, #tpu.memory_space<hbm>>
    %dma_wait3A_485 = arith.constant 0 : i32
    %dma_wait3A_486 = tpu.memref_slice %arg2[%add3A_468, %dma_wait3A_485] : memref<160000x16xf32, #tpu.memory_space<hbm>> -> memref<200x16xf32, #tpu.memory_space<hbm>>
    tpu.wait_dma2 semaphore(%arg6 : memref<!tpu.dma_semaphore, #tpu.memory_space<semaphore_mem>>) src(%dma_wait3A_486 : memref<200x16xf32, #tpu.memory_space<hbm>>) dst(%arg4 : memref<200x16xf32, #tpu.memory_space<vmem>>)
    %add3A_487 = arith.constant 4800 : i32
    %add3A_488 = arith.addi %mul3A_2, %add3A_487 : i32
    %dma_start3A_489 = arith.constant 0 : i32
    %dma_start3A_490 = tpu.memref_slice %arg3[%add3A_488, %dma_start3A_489] : memref<160000x16xf32, #tpu.memory_space<hbm>> -> memref<200x16xf32, #tpu.memory_space<hbm>>
    %dma_start3A_491 = arith.constant 0 : i32
    %dma_start3A_492 = tpu.memref_slice %arg3[%add3A_488, %dma_start3A_491] : memref<160000x16xf32, #tpu.memory_space<hbm>> -> memref<200x16xf32, #tpu.memory_space<hbm>>
    tpu.enqueue_dma source(%arg4 : memref<200x16xf32, #tpu.memory_space<vmem>>) target(%dma_start3A_492 : memref<200x16xf32, #tpu.memory_space<hbm>>) target_semaphore(%arg8 : memref<!tpu.dma_semaphore, #tpu.memory_space<semaphore_mem>>)
    %dma_wait3A_493 = arith.constant 0 : i32
    %dma_wait3A_494 = tpu.memref_slice %arg3[%add3A_478, %dma_wait3A_493] : memref<160000x16xf32, #tpu.memory_space<hbm>> -> memref<200x16xf32, #tpu.memory_space<hbm>>
    %dma_wait3A_495 = arith.constant 0 : i32
    %dma_wait3A_496 = tpu.memref_slice %arg3[%add3A_478, %dma_wait3A_495] : memref<160000x16xf32, #tpu.memory_space<hbm>> -> memref<200x16xf32, #tpu.memory_space<hbm>>
    tpu.wait_dma2 semaphore(%arg9 : memref<!tpu.dma_semaphore, #tpu.memory_space<semaphore_mem>>) src(%arg5 : memref<200x16xf32, #tpu.memory_space<vmem>>) dst(%dma_wait3A_496 : memref<200x16xf32, #tpu.memory_space<hbm>>)
    %dma_wait3A_497 = arith.constant 0 : i32
    %dma_wait3A_498 = tpu.memref_slice %arg3[%add3A_488, %dma_wait3A_497] : memref<160000x16xf32, #tpu.memory_space<hbm>> -> memref<200x16xf32, #tpu.memory_space<hbm>>
    %dma_wait3A_499 = arith.constant 0 : i32
    %dma_wait3A_500 = tpu.memref_slice %arg3[%add3A_488, %dma_wait3A_499] : memref<160000x16xf32, #tpu.memory_space<hbm>> -> memref<200x16xf32, #tpu.memory_space<hbm>>
    tpu.wait_dma2 semaphore(%arg8 : memref<!tpu.dma_semaphore, #tpu.memory_space<semaphore_mem>>) src(%arg4 : memref<200x16xf32, #tpu.memory_space<vmem>>) dst(%dma_wait3A_500 : memref<200x16xf32, #tpu.memory_space<hbm>>)
    return
  }
}

module attributes {stable_mosaic.version = 14 : i64} {
  func.func @_x_copy_body(%arg0: memref<10000x256xf32, #tpu.memory_space<any>>, %arg1: memref<10000x256xf32, #tpu.memory_space<any>>, %arg2: memref<10000x256xf32, #tpu.memory_space<vmem>>, %arg3: memref<10x!tpu.dma_semaphore, #tpu.memory_space<semaphore_mem>>, %arg4: memref<10x!tpu.dma_semaphore, #tpu.memory_space<semaphore_mem>>) attributes {dimension_semantics = [], scalar_prefetch = 0 : i64, scratch_operands = 3 : i64, tpu.core_type = #tpu.core_type<tc>} {
    %dma_start3A = arith.constant 0 : i32
    %dma_start3A_0 = tpu.memref_slice %arg3[%dma_start3A] : memref<10x!tpu.dma_semaphore, #tpu.memory_space<semaphore_mem>> -> memref<1x!tpu.dma_semaphore, #tpu.memory_space<semaphore_mem>>
    %dma_start3A_1 = tpu.memref_squeeze %dma_start3A_0 : memref<1x!tpu.dma_semaphore, #tpu.memory_space<semaphore_mem>> -> memref<!tpu.dma_semaphore, #tpu.memory_space<semaphore_mem>>
    %dma_start3A_2 = arith.constant 0 : i32
    %dma_start3A_3 = arith.constant 0 : i32
    %dma_start3A_4 = tpu.memref_slice %arg2[%dma_start3A_2, %dma_start3A_3] : memref<10000x256xf32, #tpu.memory_space<vmem>> -> memref<1000x256xf32, #tpu.memory_space<vmem>>
    %dma_start3A_5 = arith.constant 0 : i32
    %dma_start3A_6 = arith.constant 0 : i32
    %dma_start3A_7 = tpu.memref_slice %arg0[%dma_start3A_5, %dma_start3A_6] : memref<10000x256xf32, #tpu.memory_space<any>> -> memref<1000x256xf32, #tpu.memory_space<any>>
    tpu.enqueue_dma source(%dma_start3A_7 : memref<1000x256xf32, #tpu.memory_space<any>>) target(%dma_start3A_4 : memref<1000x256xf32, #tpu.memory_space<vmem>>) target_semaphore(%dma_start3A_1 : memref<!tpu.dma_semaphore, #tpu.memory_space<semaphore_mem>>)
    %dma_start3A_8 = arith.constant 1 : i32
    %dma_start3A_9 = tpu.memref_slice %arg3[%dma_start3A_8] : memref<10x!tpu.dma_semaphore, #tpu.memory_space<semaphore_mem>> -> memref<1x!tpu.dma_semaphore, #tpu.memory_space<semaphore_mem>>
    %dma_start3A_10 = tpu.memref_squeeze %dma_start3A_9 : memref<1x!tpu.dma_semaphore, #tpu.memory_space<semaphore_mem>> -> memref<!tpu.dma_semaphore, #tpu.memory_space<semaphore_mem>>
    %dma_start3A_11 = arith.constant 1000 : i32
    %dma_start3A_12 = arith.constant 0 : i32
    %dma_start3A_13 = tpu.memref_slice %arg2[%dma_start3A_11, %dma_start3A_12] : memref<10000x256xf32, #tpu.memory_space<vmem>> -> memref<1000x256xf32, #tpu.memory_space<vmem>>
    %dma_start3A_14 = arith.constant 1000 : i32
    %dma_start3A_15 = arith.constant 0 : i32
    %dma_start3A_16 = tpu.memref_slice %arg0[%dma_start3A_14, %dma_start3A_15] : memref<10000x256xf32, #tpu.memory_space<any>> -> memref<1000x256xf32, #tpu.memory_space<any>>
    tpu.enqueue_dma source(%dma_start3A_16 : memref<1000x256xf32, #tpu.memory_space<any>>) target(%dma_start3A_13 : memref<1000x256xf32, #tpu.memory_space<vmem>>) target_semaphore(%dma_start3A_10 : memref<!tpu.dma_semaphore, #tpu.memory_space<semaphore_mem>>)
    %dma_start3A_17 = arith.constant 2 : i32
    %dma_start3A_18 = tpu.memref_slice %arg3[%dma_start3A_17] : memref<10x!tpu.dma_semaphore, #tpu.memory_space<semaphore_mem>> -> memref<1x!tpu.dma_semaphore, #tpu.memory_space<semaphore_mem>>
    %dma_start3A_19 = tpu.memref_squeeze %dma_start3A_18 : memref<1x!tpu.dma_semaphore, #tpu.memory_space<semaphore_mem>> -> memref<!tpu.dma_semaphore, #tpu.memory_space<semaphore_mem>>
    %dma_start3A_20 = arith.constant 2000 : i32
    %dma_start3A_21 = arith.constant 0 : i32
    %dma_start3A_22 = tpu.memref_slice %arg2[%dma_start3A_20, %dma_start3A_21] : memref<10000x256xf32, #tpu.memory_space<vmem>> -> memref<1000x256xf32, #tpu.memory_space<vmem>>
    %dma_start3A_23 = arith.constant 2000 : i32
    %dma_start3A_24 = arith.constant 0 : i32
    %dma_start3A_25 = tpu.memref_slice %arg0[%dma_start3A_23, %dma_start3A_24] : memref<10000x256xf32, #tpu.memory_space<any>> -> memref<1000x256xf32, #tpu.memory_space<any>>
    tpu.enqueue_dma source(%dma_start3A_25 : memref<1000x256xf32, #tpu.memory_space<any>>) target(%dma_start3A_22 : memref<1000x256xf32, #tpu.memory_space<vmem>>) target_semaphore(%dma_start3A_19 : memref<!tpu.dma_semaphore, #tpu.memory_space<semaphore_mem>>)
    %dma_start3A_26 = arith.constant 3 : i32
    %dma_start3A_27 = tpu.memref_slice %arg3[%dma_start3A_26] : memref<10x!tpu.dma_semaphore, #tpu.memory_space<semaphore_mem>> -> memref<1x!tpu.dma_semaphore, #tpu.memory_space<semaphore_mem>>
    %dma_start3A_28 = tpu.memref_squeeze %dma_start3A_27 : memref<1x!tpu.dma_semaphore, #tpu.memory_space<semaphore_mem>> -> memref<!tpu.dma_semaphore, #tpu.memory_space<semaphore_mem>>
    %dma_start3A_29 = arith.constant 3000 : i32
    %dma_start3A_30 = arith.constant 0 : i32
    %dma_start3A_31 = tpu.memref_slice %arg2[%dma_start3A_29, %dma_start3A_30] : memref<10000x256xf32, #tpu.memory_space<vmem>> -> memref<1000x256xf32, #tpu.memory_space<vmem>>
    %dma_start3A_32 = arith.constant 3000 : i32
    %dma_start3A_33 = arith.constant 0 : i32
    %dma_start3A_34 = tpu.memref_slice %arg0[%dma_start3A_32, %dma_start3A_33] : memref<10000x256xf32, #tpu.memory_space<any>> -> memref<1000x256xf32, #tpu.memory_space<any>>
    tpu.enqueue_dma source(%dma_start3A_34 : memref<1000x256xf32, #tpu.memory_space<any>>) target(%dma_start3A_31 : memref<1000x256xf32, #tpu.memory_space<vmem>>) target_semaphore(%dma_start3A_28 : memref<!tpu.dma_semaphore, #tpu.memory_space<semaphore_mem>>)
    %dma_start3A_35 = arith.constant 4 : i32
    %dma_start3A_36 = tpu.memref_slice %arg3[%dma_start3A_35] : memref<10x!tpu.dma_semaphore, #tpu.memory_space<semaphore_mem>> -> memref<1x!tpu.dma_semaphore, #tpu.memory_space<semaphore_mem>>
    %dma_start3A_37 = tpu.memref_squeeze %dma_start3A_36 : memref<1x!tpu.dma_semaphore, #tpu.memory_space<semaphore_mem>> -> memref<!tpu.dma_semaphore, #tpu.memory_space<semaphore_mem>>
    %dma_start3A_38 = arith.constant 4000 : i32
    %dma_start3A_39 = arith.constant 0 : i32
    %dma_start3A_40 = tpu.memref_slice %arg2[%dma_start3A_38, %dma_start3A_39] : memref<10000x256xf32, #tpu.memory_space<vmem>> -> memref<1000x256xf32, #tpu.memory_space<vmem>>
    %dma_start3A_41 = arith.constant 4000 : i32
    %dma_start3A_42 = arith.constant 0 : i32
    %dma_start3A_43 = tpu.memref_slice %arg0[%dma_start3A_41, %dma_start3A_42] : memref<10000x256xf32, #tpu.memory_space<any>> -> memref<1000x256xf32, #tpu.memory_space<any>>
    tpu.enqueue_dma source(%dma_start3A_43 : memref<1000x256xf32, #tpu.memory_space<any>>) target(%dma_start3A_40 : memref<1000x256xf32, #tpu.memory_space<vmem>>) target_semaphore(%dma_start3A_37 : memref<!tpu.dma_semaphore, #tpu.memory_space<semaphore_mem>>)
    %dma_start3A_44 = arith.constant 5 : i32
    %dma_start3A_45 = tpu.memref_slice %arg3[%dma_start3A_44] : memref<10x!tpu.dma_semaphore, #tpu.memory_space<semaphore_mem>> -> memref<1x!tpu.dma_semaphore, #tpu.memory_space<semaphore_mem>>
    %dma_start3A_46 = tpu.memref_squeeze %dma_start3A_45 : memref<1x!tpu.dma_semaphore, #tpu.memory_space<semaphore_mem>> -> memref<!tpu.dma_semaphore, #tpu.memory_space<semaphore_mem>>
    %dma_start3A_47 = arith.constant 5000 : i32
    %dma_start3A_48 = arith.constant 0 : i32
    %dma_start3A_49 = tpu.memref_slice %arg2[%dma_start3A_47, %dma_start3A_48] : memref<10000x256xf32, #tpu.memory_space<vmem>> -> memref<1000x256xf32, #tpu.memory_space<vmem>>
    %dma_start3A_50 = arith.constant 5000 : i32
    %dma_start3A_51 = arith.constant 0 : i32
    %dma_start3A_52 = tpu.memref_slice %arg0[%dma_start3A_50, %dma_start3A_51] : memref<10000x256xf32, #tpu.memory_space<any>> -> memref<1000x256xf32, #tpu.memory_space<any>>
    tpu.enqueue_dma source(%dma_start3A_52 : memref<1000x256xf32, #tpu.memory_space<any>>) target(%dma_start3A_49 : memref<1000x256xf32, #tpu.memory_space<vmem>>) target_semaphore(%dma_start3A_46 : memref<!tpu.dma_semaphore, #tpu.memory_space<semaphore_mem>>)
    %dma_start3A_53 = arith.constant 6 : i32
    %dma_start3A_54 = tpu.memref_slice %arg3[%dma_start3A_53] : memref<10x!tpu.dma_semaphore, #tpu.memory_space<semaphore_mem>> -> memref<1x!tpu.dma_semaphore, #tpu.memory_space<semaphore_mem>>
    %dma_start3A_55 = tpu.memref_squeeze %dma_start3A_54 : memref<1x!tpu.dma_semaphore, #tpu.memory_space<semaphore_mem>> -> memref<!tpu.dma_semaphore, #tpu.memory_space<semaphore_mem>>
    %dma_start3A_56 = arith.constant 6000 : i32
    %dma_start3A_57 = arith.constant 0 : i32
    %dma_start3A_58 = tpu.memref_slice %arg2[%dma_start3A_56, %dma_start3A_57] : memref<10000x256xf32, #tpu.memory_space<vmem>> -> memref<1000x256xf32, #tpu.memory_space<vmem>>
    %dma_start3A_59 = arith.constant 6000 : i32
    %dma_start3A_60 = arith.constant 0 : i32
    %dma_start3A_61 = tpu.memref_slice %arg0[%dma_start3A_59, %dma_start3A_60] : memref<10000x256xf32, #tpu.memory_space<any>> -> memref<1000x256xf32, #tpu.memory_space<any>>
    tpu.enqueue_dma source(%dma_start3A_61 : memref<1000x256xf32, #tpu.memory_space<any>>) target(%dma_start3A_58 : memref<1000x256xf32, #tpu.memory_space<vmem>>) target_semaphore(%dma_start3A_55 : memref<!tpu.dma_semaphore, #tpu.memory_space<semaphore_mem>>)
    %dma_start3A_62 = arith.constant 7 : i32
    %dma_start3A_63 = tpu.memref_slice %arg3[%dma_start3A_62] : memref<10x!tpu.dma_semaphore, #tpu.memory_space<semaphore_mem>> -> memref<1x!tpu.dma_semaphore, #tpu.memory_space<semaphore_mem>>
    %dma_start3A_64 = tpu.memref_squeeze %dma_start3A_63 : memref<1x!tpu.dma_semaphore, #tpu.memory_space<semaphore_mem>> -> memref<!tpu.dma_semaphore, #tpu.memory_space<semaphore_mem>>
    %dma_start3A_65 = arith.constant 7000 : i32
    %dma_start3A_66 = arith.constant 0 : i32
    %dma_start3A_67 = tpu.memref_slice %arg2[%dma_start3A_65, %dma_start3A_66] : memref<10000x256xf32, #tpu.memory_space<vmem>> -> memref<1000x256xf32, #tpu.memory_space<vmem>>
    %dma_start3A_68 = arith.constant 7000 : i32
    %dma_start3A_69 = arith.constant 0 : i32
    %dma_start3A_70 = tpu.memref_slice %arg0[%dma_start3A_68, %dma_start3A_69] : memref<10000x256xf32, #tpu.memory_space<any>> -> memref<1000x256xf32, #tpu.memory_space<any>>
    tpu.enqueue_dma source(%dma_start3A_70 : memref<1000x256xf32, #tpu.memory_space<any>>) target(%dma_start3A_67 : memref<1000x256xf32, #tpu.memory_space<vmem>>) target_semaphore(%dma_start3A_64 : memref<!tpu.dma_semaphore, #tpu.memory_space<semaphore_mem>>)
    %dma_start3A_71 = arith.constant 8 : i32
    %dma_start3A_72 = tpu.memref_slice %arg3[%dma_start3A_71] : memref<10x!tpu.dma_semaphore, #tpu.memory_space<semaphore_mem>> -> memref<1x!tpu.dma_semaphore, #tpu.memory_space<semaphore_mem>>
    %dma_start3A_73 = tpu.memref_squeeze %dma_start3A_72 : memref<1x!tpu.dma_semaphore, #tpu.memory_space<semaphore_mem>> -> memref<!tpu.dma_semaphore, #tpu.memory_space<semaphore_mem>>
    %dma_start3A_74 = arith.constant 8000 : i32
    %dma_start3A_75 = arith.constant 0 : i32
    %dma_start3A_76 = tpu.memref_slice %arg2[%dma_start3A_74, %dma_start3A_75] : memref<10000x256xf32, #tpu.memory_space<vmem>> -> memref<1000x256xf32, #tpu.memory_space<vmem>>
    %dma_start3A_77 = arith.constant 8000 : i32
    %dma_start3A_78 = arith.constant 0 : i32
    %dma_start3A_79 = tpu.memref_slice %arg0[%dma_start3A_77, %dma_start3A_78] : memref<10000x256xf32, #tpu.memory_space<any>> -> memref<1000x256xf32, #tpu.memory_space<any>>
    tpu.enqueue_dma source(%dma_start3A_79 : memref<1000x256xf32, #tpu.memory_space<any>>) target(%dma_start3A_76 : memref<1000x256xf32, #tpu.memory_space<vmem>>) target_semaphore(%dma_start3A_73 : memref<!tpu.dma_semaphore, #tpu.memory_space<semaphore_mem>>)
    %dma_start3A_80 = arith.constant 9 : i32
    %dma_start3A_81 = tpu.memref_slice %arg3[%dma_start3A_80] : memref<10x!tpu.dma_semaphore, #tpu.memory_space<semaphore_mem>> -> memref<1x!tpu.dma_semaphore, #tpu.memory_space<semaphore_mem>>
    %dma_start3A_82 = tpu.memref_squeeze %dma_start3A_81 : memref<1x!tpu.dma_semaphore, #tpu.memory_space<semaphore_mem>> -> memref<!tpu.dma_semaphore, #tpu.memory_space<semaphore_mem>>
    %dma_start3A_83 = arith.constant 9000 : i32
    %dma_start3A_84 = arith.constant 0 : i32
    %dma_start3A_85 = tpu.memref_slice %arg2[%dma_start3A_83, %dma_start3A_84] : memref<10000x256xf32, #tpu.memory_space<vmem>> -> memref<1000x256xf32, #tpu.memory_space<vmem>>
    %dma_start3A_86 = arith.constant 9000 : i32
    %dma_start3A_87 = arith.constant 0 : i32
    %dma_start3A_88 = tpu.memref_slice %arg0[%dma_start3A_86, %dma_start3A_87] : memref<10000x256xf32, #tpu.memory_space<any>> -> memref<1000x256xf32, #tpu.memory_space<any>>
    tpu.enqueue_dma source(%dma_start3A_88 : memref<1000x256xf32, #tpu.memory_space<any>>) target(%dma_start3A_85 : memref<1000x256xf32, #tpu.memory_space<vmem>>) target_semaphore(%dma_start3A_82 : memref<!tpu.dma_semaphore, #tpu.memory_space<semaphore_mem>>)
    %dma_wait3A = arith.constant 0 : i32
    %dma_wait3A_89 = tpu.memref_slice %arg3[%dma_wait3A] : memref<10x!tpu.dma_semaphore, #tpu.memory_space<semaphore_mem>> -> memref<1x!tpu.dma_semaphore, #tpu.memory_space<semaphore_mem>>
    %dma_wait3A_90 = tpu.memref_squeeze %dma_wait3A_89 : memref<1x!tpu.dma_semaphore, #tpu.memory_space<semaphore_mem>> -> memref<!tpu.dma_semaphore, #tpu.memory_space<semaphore_mem>>
    %dma_wait3A_91 = arith.constant 0 : i32
    %dma_wait3A_92 = arith.constant 0 : i32
    %dma_wait3A_93 = tpu.memref_slice %arg2[%dma_wait3A_91, %dma_wait3A_92] : memref<10000x256xf32, #tpu.memory_space<vmem>> -> memref<1000x256xf32, #tpu.memory_space<vmem>>
    %dma_wait3A_94 = arith.constant 0 : i32
    %dma_wait3A_95 = arith.constant 0 : i32
    %dma_wait3A_96 = tpu.memref_slice %arg0[%dma_wait3A_94, %dma_wait3A_95] : memref<10000x256xf32, #tpu.memory_space<any>> -> memref<1000x256xf32, #tpu.memory_space<any>>
    tpu.wait_dma2 semaphore(%dma_wait3A_90 : memref<!tpu.dma_semaphore, #tpu.memory_space<semaphore_mem>>) src(%dma_wait3A_96 : memref<1000x256xf32, #tpu.memory_space<any>>) dst(%dma_wait3A_93 : memref<1000x256xf32, #tpu.memory_space<vmem>>)
    %dma_start3A_97 = arith.constant 0 : i32
    %dma_start3A_98 = tpu.memref_slice %arg4[%dma_start3A_97] : memref<10x!tpu.dma_semaphore, #tpu.memory_space<semaphore_mem>> -> memref<1x!tpu.dma_semaphore, #tpu.memory_space<semaphore_mem>>
    %dma_start3A_99 = tpu.memref_squeeze %dma_start3A_98 : memref<1x!tpu.dma_semaphore, #tpu.memory_space<semaphore_mem>> -> memref<!tpu.dma_semaphore, #tpu.memory_space<semaphore_mem>>
    %dma_start3A_100 = arith.constant 0 : i32
    %dma_start3A_101 = arith.constant 0 : i32
    %dma_start3A_102 = tpu.memref_slice %arg1[%dma_start3A_100, %dma_start3A_101] : memref<10000x256xf32, #tpu.memory_space<any>> -> memref<1000x256xf32, #tpu.memory_space<any>>
    %dma_start3A_103 = arith.constant 0 : i32
    %dma_start3A_104 = arith.constant 0 : i32
    %dma_start3A_105 = tpu.memref_slice %arg2[%dma_start3A_103, %dma_start3A_104] : memref<10000x256xf32, #tpu.memory_space<vmem>> -> memref<1000x256xf32, #tpu.memory_space<vmem>>
    tpu.enqueue_dma source(%dma_start3A_105 : memref<1000x256xf32, #tpu.memory_space<vmem>>) target(%dma_start3A_102 : memref<1000x256xf32, #tpu.memory_space<any>>) target_semaphore(%dma_start3A_99 : memref<!tpu.dma_semaphore, #tpu.memory_space<semaphore_mem>>)
    %dma_wait3A_106 = arith.constant 1 : i32
    %dma_wait3A_107 = tpu.memref_slice %arg3[%dma_wait3A_106] : memref<10x!tpu.dma_semaphore, #tpu.memory_space<semaphore_mem>> -> memref<1x!tpu.dma_semaphore, #tpu.memory_space<semaphore_mem>>
    %dma_wait3A_108 = tpu.memref_squeeze %dma_wait3A_107 : memref<1x!tpu.dma_semaphore, #tpu.memory_space<semaphore_mem>> -> memref<!tpu.dma_semaphore, #tpu.memory_space<semaphore_mem>>
    %dma_wait3A_109 = arith.constant 1000 : i32
    %dma_wait3A_110 = arith.constant 0 : i32
    %dma_wait3A_111 = tpu.memref_slice %arg2[%dma_wait3A_109, %dma_wait3A_110] : memref<10000x256xf32, #tpu.memory_space<vmem>> -> memref<1000x256xf32, #tpu.memory_space<vmem>>
    %dma_wait3A_112 = arith.constant 1000 : i32
    %dma_wait3A_113 = arith.constant 0 : i32
    %dma_wait3A_114 = tpu.memref_slice %arg0[%dma_wait3A_112, %dma_wait3A_113] : memref<10000x256xf32, #tpu.memory_space<any>> -> memref<1000x256xf32, #tpu.memory_space<any>>
    tpu.wait_dma2 semaphore(%dma_wait3A_108 : memref<!tpu.dma_semaphore, #tpu.memory_space<semaphore_mem>>) src(%dma_wait3A_114 : memref<1000x256xf32, #tpu.memory_space<any>>) dst(%dma_wait3A_111 : memref<1000x256xf32, #tpu.memory_space<vmem>>)
    %dma_start3A_115 = arith.constant 1 : i32
    %dma_start3A_116 = tpu.memref_slice %arg4[%dma_start3A_115] : memref<10x!tpu.dma_semaphore, #tpu.memory_space<semaphore_mem>> -> memref<1x!tpu.dma_semaphore, #tpu.memory_space<semaphore_mem>>
    %dma_start3A_117 = tpu.memref_squeeze %dma_start3A_116 : memref<1x!tpu.dma_semaphore, #tpu.memory_space<semaphore_mem>> -> memref<!tpu.dma_semaphore, #tpu.memory_space<semaphore_mem>>
    %dma_start3A_118 = arith.constant 1000 : i32
    %dma_start3A_119 = arith.constant 0 : i32
    %dma_start3A_120 = tpu.memref_slice %arg1[%dma_start3A_118, %dma_start3A_119] : memref<10000x256xf32, #tpu.memory_space<any>> -> memref<1000x256xf32, #tpu.memory_space<any>>
    %dma_start3A_121 = arith.constant 1000 : i32
    %dma_start3A_122 = arith.constant 0 : i32
    %dma_start3A_123 = tpu.memref_slice %arg2[%dma_start3A_121, %dma_start3A_122] : memref<10000x256xf32, #tpu.memory_space<vmem>> -> memref<1000x256xf32, #tpu.memory_space<vmem>>
    tpu.enqueue_dma source(%dma_start3A_123 : memref<1000x256xf32, #tpu.memory_space<vmem>>) target(%dma_start3A_120 : memref<1000x256xf32, #tpu.memory_space<any>>) target_semaphore(%dma_start3A_117 : memref<!tpu.dma_semaphore, #tpu.memory_space<semaphore_mem>>)
    %dma_wait3A_124 = arith.constant 2 : i32
    %dma_wait3A_125 = tpu.memref_slice %arg3[%dma_wait3A_124] : memref<10x!tpu.dma_semaphore, #tpu.memory_space<semaphore_mem>> -> memref<1x!tpu.dma_semaphore, #tpu.memory_space<semaphore_mem>>
    %dma_wait3A_126 = tpu.memref_squeeze %dma_wait3A_125 : memref<1x!tpu.dma_semaphore, #tpu.memory_space<semaphore_mem>> -> memref<!tpu.dma_semaphore, #tpu.memory_space<semaphore_mem>>
    %dma_wait3A_127 = arith.constant 2000 : i32
    %dma_wait3A_128 = arith.constant 0 : i32
    %dma_wait3A_129 = tpu.memref_slice %arg2[%dma_wait3A_127, %dma_wait3A_128] : memref<10000x256xf32, #tpu.memory_space<vmem>> -> memref<1000x256xf32, #tpu.memory_space<vmem>>
    %dma_wait3A_130 = arith.constant 2000 : i32
    %dma_wait3A_131 = arith.constant 0 : i32
    %dma_wait3A_132 = tpu.memref_slice %arg0[%dma_wait3A_130, %dma_wait3A_131] : memref<10000x256xf32, #tpu.memory_space<any>> -> memref<1000x256xf32, #tpu.memory_space<any>>
    tpu.wait_dma2 semaphore(%dma_wait3A_126 : memref<!tpu.dma_semaphore, #tpu.memory_space<semaphore_mem>>) src(%dma_wait3A_132 : memref<1000x256xf32, #tpu.memory_space<any>>) dst(%dma_wait3A_129 : memref<1000x256xf32, #tpu.memory_space<vmem>>)
    %dma_start3A_133 = arith.constant 2 : i32
    %dma_start3A_134 = tpu.memref_slice %arg4[%dma_start3A_133] : memref<10x!tpu.dma_semaphore, #tpu.memory_space<semaphore_mem>> -> memref<1x!tpu.dma_semaphore, #tpu.memory_space<semaphore_mem>>
    %dma_start3A_135 = tpu.memref_squeeze %dma_start3A_134 : memref<1x!tpu.dma_semaphore, #tpu.memory_space<semaphore_mem>> -> memref<!tpu.dma_semaphore, #tpu.memory_space<semaphore_mem>>
    %dma_start3A_136 = arith.constant 2000 : i32
    %dma_start3A_137 = arith.constant 0 : i32
    %dma_start3A_138 = tpu.memref_slice %arg1[%dma_start3A_136, %dma_start3A_137] : memref<10000x256xf32, #tpu.memory_space<any>> -> memref<1000x256xf32, #tpu.memory_space<any>>
    %dma_start3A_139 = arith.constant 2000 : i32
    %dma_start3A_140 = arith.constant 0 : i32
    %dma_start3A_141 = tpu.memref_slice %arg2[%dma_start3A_139, %dma_start3A_140] : memref<10000x256xf32, #tpu.memory_space<vmem>> -> memref<1000x256xf32, #tpu.memory_space<vmem>>
    tpu.enqueue_dma source(%dma_start3A_141 : memref<1000x256xf32, #tpu.memory_space<vmem>>) target(%dma_start3A_138 : memref<1000x256xf32, #tpu.memory_space<any>>) target_semaphore(%dma_start3A_135 : memref<!tpu.dma_semaphore, #tpu.memory_space<semaphore_mem>>)
    %dma_wait3A_142 = arith.constant 3 : i32
    %dma_wait3A_143 = tpu.memref_slice %arg3[%dma_wait3A_142] : memref<10x!tpu.dma_semaphore, #tpu.memory_space<semaphore_mem>> -> memref<1x!tpu.dma_semaphore, #tpu.memory_space<semaphore_mem>>
    %dma_wait3A_144 = tpu.memref_squeeze %dma_wait3A_143 : memref<1x!tpu.dma_semaphore, #tpu.memory_space<semaphore_mem>> -> memref<!tpu.dma_semaphore, #tpu.memory_space<semaphore_mem>>
    %dma_wait3A_145 = arith.constant 3000 : i32
    %dma_wait3A_146 = arith.constant 0 : i32
    %dma_wait3A_147 = tpu.memref_slice %arg2[%dma_wait3A_145, %dma_wait3A_146] : memref<10000x256xf32, #tpu.memory_space<vmem>> -> memref<1000x256xf32, #tpu.memory_space<vmem>>
    %dma_wait3A_148 = arith.constant 3000 : i32
    %dma_wait3A_149 = arith.constant 0 : i32
    %dma_wait3A_150 = tpu.memref_slice %arg0[%dma_wait3A_148, %dma_wait3A_149] : memref<10000x256xf32, #tpu.memory_space<any>> -> memref<1000x256xf32, #tpu.memory_space<any>>
    tpu.wait_dma2 semaphore(%dma_wait3A_144 : memref<!tpu.dma_semaphore, #tpu.memory_space<semaphore_mem>>) src(%dma_wait3A_150 : memref<1000x256xf32, #tpu.memory_space<any>>) dst(%dma_wait3A_147 : memref<1000x256xf32, #tpu.memory_space<vmem>>)
    %dma_start3A_151 = arith.constant 3 : i32
    %dma_start3A_152 = tpu.memref_slice %arg4[%dma_start3A_151] : memref<10x!tpu.dma_semaphore, #tpu.memory_space<semaphore_mem>> -> memref<1x!tpu.dma_semaphore, #tpu.memory_space<semaphore_mem>>
    %dma_start3A_153 = tpu.memref_squeeze %dma_start3A_152 : memref<1x!tpu.dma_semaphore, #tpu.memory_space<semaphore_mem>> -> memref<!tpu.dma_semaphore, #tpu.memory_space<semaphore_mem>>
    %dma_start3A_154 = arith.constant 3000 : i32
    %dma_start3A_155 = arith.constant 0 : i32
    %dma_start3A_156 = tpu.memref_slice %arg1[%dma_start3A_154, %dma_start3A_155] : memref<10000x256xf32, #tpu.memory_space<any>> -> memref<1000x256xf32, #tpu.memory_space<any>>
    %dma_start3A_157 = arith.constant 3000 : i32
    %dma_start3A_158 = arith.constant 0 : i32
    %dma_start3A_159 = tpu.memref_slice %arg2[%dma_start3A_157, %dma_start3A_158] : memref<10000x256xf32, #tpu.memory_space<vmem>> -> memref<1000x256xf32, #tpu.memory_space<vmem>>
    tpu.enqueue_dma source(%dma_start3A_159 : memref<1000x256xf32, #tpu.memory_space<vmem>>) target(%dma_start3A_156 : memref<1000x256xf32, #tpu.memory_space<any>>) target_semaphore(%dma_start3A_153 : memref<!tpu.dma_semaphore, #tpu.memory_space<semaphore_mem>>)
    %dma_wait3A_160 = arith.constant 4 : i32
    %dma_wait3A_161 = tpu.memref_slice %arg3[%dma_wait3A_160] : memref<10x!tpu.dma_semaphore, #tpu.memory_space<semaphore_mem>> -> memref<1x!tpu.dma_semaphore, #tpu.memory_space<semaphore_mem>>
    %dma_wait3A_162 = tpu.memref_squeeze %dma_wait3A_161 : memref<1x!tpu.dma_semaphore, #tpu.memory_space<semaphore_mem>> -> memref<!tpu.dma_semaphore, #tpu.memory_space<semaphore_mem>>
    %dma_wait3A_163 = arith.constant 4000 : i32
    %dma_wait3A_164 = arith.constant 0 : i32
    %dma_wait3A_165 = tpu.memref_slice %arg2[%dma_wait3A_163, %dma_wait3A_164] : memref<10000x256xf32, #tpu.memory_space<vmem>> -> memref<1000x256xf32, #tpu.memory_space<vmem>>
    %dma_wait3A_166 = arith.constant 4000 : i32
    %dma_wait3A_167 = arith.constant 0 : i32
    %dma_wait3A_168 = tpu.memref_slice %arg0[%dma_wait3A_166, %dma_wait3A_167] : memref<10000x256xf32, #tpu.memory_space<any>> -> memref<1000x256xf32, #tpu.memory_space<any>>
    tpu.wait_dma2 semaphore(%dma_wait3A_162 : memref<!tpu.dma_semaphore, #tpu.memory_space<semaphore_mem>>) src(%dma_wait3A_168 : memref<1000x256xf32, #tpu.memory_space<any>>) dst(%dma_wait3A_165 : memref<1000x256xf32, #tpu.memory_space<vmem>>)
    %dma_start3A_169 = arith.constant 4 : i32
    %dma_start3A_170 = tpu.memref_slice %arg4[%dma_start3A_169] : memref<10x!tpu.dma_semaphore, #tpu.memory_space<semaphore_mem>> -> memref<1x!tpu.dma_semaphore, #tpu.memory_space<semaphore_mem>>
    %dma_start3A_171 = tpu.memref_squeeze %dma_start3A_170 : memref<1x!tpu.dma_semaphore, #tpu.memory_space<semaphore_mem>> -> memref<!tpu.dma_semaphore, #tpu.memory_space<semaphore_mem>>
    %dma_start3A_172 = arith.constant 4000 : i32
    %dma_start3A_173 = arith.constant 0 : i32
    %dma_start3A_174 = tpu.memref_slice %arg1[%dma_start3A_172, %dma_start3A_173] : memref<10000x256xf32, #tpu.memory_space<any>> -> memref<1000x256xf32, #tpu.memory_space<any>>
    %dma_start3A_175 = arith.constant 4000 : i32
    %dma_start3A_176 = arith.constant 0 : i32
    %dma_start3A_177 = tpu.memref_slice %arg2[%dma_start3A_175, %dma_start3A_176] : memref<10000x256xf32, #tpu.memory_space<vmem>> -> memref<1000x256xf32, #tpu.memory_space<vmem>>
    tpu.enqueue_dma source(%dma_start3A_177 : memref<1000x256xf32, #tpu.memory_space<vmem>>) target(%dma_start3A_174 : memref<1000x256xf32, #tpu.memory_space<any>>) target_semaphore(%dma_start3A_171 : memref<!tpu.dma_semaphore, #tpu.memory_space<semaphore_mem>>)
    %dma_wait3A_178 = arith.constant 5 : i32
    %dma_wait3A_179 = tpu.memref_slice %arg3[%dma_wait3A_178] : memref<10x!tpu.dma_semaphore, #tpu.memory_space<semaphore_mem>> -> memref<1x!tpu.dma_semaphore, #tpu.memory_space<semaphore_mem>>
    %dma_wait3A_180 = tpu.memref_squeeze %dma_wait3A_179 : memref<1x!tpu.dma_semaphore, #tpu.memory_space<semaphore_mem>> -> memref<!tpu.dma_semaphore, #tpu.memory_space<semaphore_mem>>
    %dma_wait3A_181 = arith.constant 5000 : i32
    %dma_wait3A_182 = arith.constant 0 : i32
    %dma_wait3A_183 = tpu.memref_slice %arg2[%dma_wait3A_181, %dma_wait3A_182] : memref<10000x256xf32, #tpu.memory_space<vmem>> -> memref<1000x256xf32, #tpu.memory_space<vmem>>
    %dma_wait3A_184 = arith.constant 5000 : i32
    %dma_wait3A_185 = arith.constant 0 : i32
    %dma_wait3A_186 = tpu.memref_slice %arg0[%dma_wait3A_184, %dma_wait3A_185] : memref<10000x256xf32, #tpu.memory_space<any>> -> memref<1000x256xf32, #tpu.memory_space<any>>
    tpu.wait_dma2 semaphore(%dma_wait3A_180 : memref<!tpu.dma_semaphore, #tpu.memory_space<semaphore_mem>>) src(%dma_wait3A_186 : memref<1000x256xf32, #tpu.memory_space<any>>) dst(%dma_wait3A_183 : memref<1000x256xf32, #tpu.memory_space<vmem>>)
    %dma_start3A_187 = arith.constant 5 : i32
    %dma_start3A_188 = tpu.memref_slice %arg4[%dma_start3A_187] : memref<10x!tpu.dma_semaphore, #tpu.memory_space<semaphore_mem>> -> memref<1x!tpu.dma_semaphore, #tpu.memory_space<semaphore_mem>>
    %dma_start3A_189 = tpu.memref_squeeze %dma_start3A_188 : memref<1x!tpu.dma_semaphore, #tpu.memory_space<semaphore_mem>> -> memref<!tpu.dma_semaphore, #tpu.memory_space<semaphore_mem>>
    %dma_start3A_190 = arith.constant 5000 : i32
    %dma_start3A_191 = arith.constant 0 : i32
    %dma_start3A_192 = tpu.memref_slice %arg1[%dma_start3A_190, %dma_start3A_191] : memref<10000x256xf32, #tpu.memory_space<any>> -> memref<1000x256xf32, #tpu.memory_space<any>>
    %dma_start3A_193 = arith.constant 5000 : i32
    %dma_start3A_194 = arith.constant 0 : i32
    %dma_start3A_195 = tpu.memref_slice %arg2[%dma_start3A_193, %dma_start3A_194] : memref<10000x256xf32, #tpu.memory_space<vmem>> -> memref<1000x256xf32, #tpu.memory_space<vmem>>
    tpu.enqueue_dma source(%dma_start3A_195 : memref<1000x256xf32, #tpu.memory_space<vmem>>) target(%dma_start3A_192 : memref<1000x256xf32, #tpu.memory_space<any>>) target_semaphore(%dma_start3A_189 : memref<!tpu.dma_semaphore, #tpu.memory_space<semaphore_mem>>)
    %dma_wait3A_196 = arith.constant 6 : i32
    %dma_wait3A_197 = tpu.memref_slice %arg3[%dma_wait3A_196] : memref<10x!tpu.dma_semaphore, #tpu.memory_space<semaphore_mem>> -> memref<1x!tpu.dma_semaphore, #tpu.memory_space<semaphore_mem>>
    %dma_wait3A_198 = tpu.memref_squeeze %dma_wait3A_197 : memref<1x!tpu.dma_semaphore, #tpu.memory_space<semaphore_mem>> -> memref<!tpu.dma_semaphore, #tpu.memory_space<semaphore_mem>>
    %dma_wait3A_199 = arith.constant 6000 : i32
    %dma_wait3A_200 = arith.constant 0 : i32
    %dma_wait3A_201 = tpu.memref_slice %arg2[%dma_wait3A_199, %dma_wait3A_200] : memref<10000x256xf32, #tpu.memory_space<vmem>> -> memref<1000x256xf32, #tpu.memory_space<vmem>>
    %dma_wait3A_202 = arith.constant 6000 : i32
    %dma_wait3A_203 = arith.constant 0 : i32
    %dma_wait3A_204 = tpu.memref_slice %arg0[%dma_wait3A_202, %dma_wait3A_203] : memref<10000x256xf32, #tpu.memory_space<any>> -> memref<1000x256xf32, #tpu.memory_space<any>>
    tpu.wait_dma2 semaphore(%dma_wait3A_198 : memref<!tpu.dma_semaphore, #tpu.memory_space<semaphore_mem>>) src(%dma_wait3A_204 : memref<1000x256xf32, #tpu.memory_space<any>>) dst(%dma_wait3A_201 : memref<1000x256xf32, #tpu.memory_space<vmem>>)
    %dma_start3A_205 = arith.constant 6 : i32
    %dma_start3A_206 = tpu.memref_slice %arg4[%dma_start3A_205] : memref<10x!tpu.dma_semaphore, #tpu.memory_space<semaphore_mem>> -> memref<1x!tpu.dma_semaphore, #tpu.memory_space<semaphore_mem>>
    %dma_start3A_207 = tpu.memref_squeeze %dma_start3A_206 : memref<1x!tpu.dma_semaphore, #tpu.memory_space<semaphore_mem>> -> memref<!tpu.dma_semaphore, #tpu.memory_space<semaphore_mem>>
    %dma_start3A_208 = arith.constant 6000 : i32
    %dma_start3A_209 = arith.constant 0 : i32
    %dma_start3A_210 = tpu.memref_slice %arg1[%dma_start3A_208, %dma_start3A_209] : memref<10000x256xf32, #tpu.memory_space<any>> -> memref<1000x256xf32, #tpu.memory_space<any>>
    %dma_start3A_211 = arith.constant 6000 : i32
    %dma_start3A_212 = arith.constant 0 : i32
    %dma_start3A_213 = tpu.memref_slice %arg2[%dma_start3A_211, %dma_start3A_212] : memref<10000x256xf32, #tpu.memory_space<vmem>> -> memref<1000x256xf32, #tpu.memory_space<vmem>>
    tpu.enqueue_dma source(%dma_start3A_213 : memref<1000x256xf32, #tpu.memory_space<vmem>>) target(%dma_start3A_210 : memref<1000x256xf32, #tpu.memory_space<any>>) target_semaphore(%dma_start3A_207 : memref<!tpu.dma_semaphore, #tpu.memory_space<semaphore_mem>>)
    %dma_wait3A_214 = arith.constant 7 : i32
    %dma_wait3A_215 = tpu.memref_slice %arg3[%dma_wait3A_214] : memref<10x!tpu.dma_semaphore, #tpu.memory_space<semaphore_mem>> -> memref<1x!tpu.dma_semaphore, #tpu.memory_space<semaphore_mem>>
    %dma_wait3A_216 = tpu.memref_squeeze %dma_wait3A_215 : memref<1x!tpu.dma_semaphore, #tpu.memory_space<semaphore_mem>> -> memref<!tpu.dma_semaphore, #tpu.memory_space<semaphore_mem>>
    %dma_wait3A_217 = arith.constant 7000 : i32
    %dma_wait3A_218 = arith.constant 0 : i32
    %dma_wait3A_219 = tpu.memref_slice %arg2[%dma_wait3A_217, %dma_wait3A_218] : memref<10000x256xf32, #tpu.memory_space<vmem>> -> memref<1000x256xf32, #tpu.memory_space<vmem>>
    %dma_wait3A_220 = arith.constant 7000 : i32
    %dma_wait3A_221 = arith.constant 0 : i32
    %dma_wait3A_222 = tpu.memref_slice %arg0[%dma_wait3A_220, %dma_wait3A_221] : memref<10000x256xf32, #tpu.memory_space<any>> -> memref<1000x256xf32, #tpu.memory_space<any>>
    tpu.wait_dma2 semaphore(%dma_wait3A_216 : memref<!tpu.dma_semaphore, #tpu.memory_space<semaphore_mem>>) src(%dma_wait3A_222 : memref<1000x256xf32, #tpu.memory_space<any>>) dst(%dma_wait3A_219 : memref<1000x256xf32, #tpu.memory_space<vmem>>)
    %dma_start3A_223 = arith.constant 7 : i32
    %dma_start3A_224 = tpu.memref_slice %arg4[%dma_start3A_223] : memref<10x!tpu.dma_semaphore, #tpu.memory_space<semaphore_mem>> -> memref<1x!tpu.dma_semaphore, #tpu.memory_space<semaphore_mem>>
    %dma_start3A_225 = tpu.memref_squeeze %dma_start3A_224 : memref<1x!tpu.dma_semaphore, #tpu.memory_space<semaphore_mem>> -> memref<!tpu.dma_semaphore, #tpu.memory_space<semaphore_mem>>
    %dma_start3A_226 = arith.constant 7000 : i32
    %dma_start3A_227 = arith.constant 0 : i32
    %dma_start3A_228 = tpu.memref_slice %arg1[%dma_start3A_226, %dma_start3A_227] : memref<10000x256xf32, #tpu.memory_space<any>> -> memref<1000x256xf32, #tpu.memory_space<any>>
    %dma_start3A_229 = arith.constant 7000 : i32
    %dma_start3A_230 = arith.constant 0 : i32
    %dma_start3A_231 = tpu.memref_slice %arg2[%dma_start3A_229, %dma_start3A_230] : memref<10000x256xf32, #tpu.memory_space<vmem>> -> memref<1000x256xf32, #tpu.memory_space<vmem>>
    tpu.enqueue_dma source(%dma_start3A_231 : memref<1000x256xf32, #tpu.memory_space<vmem>>) target(%dma_start3A_228 : memref<1000x256xf32, #tpu.memory_space<any>>) target_semaphore(%dma_start3A_225 : memref<!tpu.dma_semaphore, #tpu.memory_space<semaphore_mem>>)
    %dma_wait3A_232 = arith.constant 8 : i32
    %dma_wait3A_233 = tpu.memref_slice %arg3[%dma_wait3A_232] : memref<10x!tpu.dma_semaphore, #tpu.memory_space<semaphore_mem>> -> memref<1x!tpu.dma_semaphore, #tpu.memory_space<semaphore_mem>>
    %dma_wait3A_234 = tpu.memref_squeeze %dma_wait3A_233 : memref<1x!tpu.dma_semaphore, #tpu.memory_space<semaphore_mem>> -> memref<!tpu.dma_semaphore, #tpu.memory_space<semaphore_mem>>
    %dma_wait3A_235 = arith.constant 8000 : i32
    %dma_wait3A_236 = arith.constant 0 : i32
    %dma_wait3A_237 = tpu.memref_slice %arg2[%dma_wait3A_235, %dma_wait3A_236] : memref<10000x256xf32, #tpu.memory_space<vmem>> -> memref<1000x256xf32, #tpu.memory_space<vmem>>
    %dma_wait3A_238 = arith.constant 8000 : i32
    %dma_wait3A_239 = arith.constant 0 : i32
    %dma_wait3A_240 = tpu.memref_slice %arg0[%dma_wait3A_238, %dma_wait3A_239] : memref<10000x256xf32, #tpu.memory_space<any>> -> memref<1000x256xf32, #tpu.memory_space<any>>
    tpu.wait_dma2 semaphore(%dma_wait3A_234 : memref<!tpu.dma_semaphore, #tpu.memory_space<semaphore_mem>>) src(%dma_wait3A_240 : memref<1000x256xf32, #tpu.memory_space<any>>) dst(%dma_wait3A_237 : memref<1000x256xf32, #tpu.memory_space<vmem>>)
    %dma_start3A_241 = arith.constant 8 : i32
    %dma_start3A_242 = tpu.memref_slice %arg4[%dma_start3A_241] : memref<10x!tpu.dma_semaphore, #tpu.memory_space<semaphore_mem>> -> memref<1x!tpu.dma_semaphore, #tpu.memory_space<semaphore_mem>>
    %dma_start3A_243 = tpu.memref_squeeze %dma_start3A_242 : memref<1x!tpu.dma_semaphore, #tpu.memory_space<semaphore_mem>> -> memref<!tpu.dma_semaphore, #tpu.memory_space<semaphore_mem>>
    %dma_start3A_244 = arith.constant 8000 : i32
    %dma_start3A_245 = arith.constant 0 : i32
    %dma_start3A_246 = tpu.memref_slice %arg1[%dma_start3A_244, %dma_start3A_245] : memref<10000x256xf32, #tpu.memory_space<any>> -> memref<1000x256xf32, #tpu.memory_space<any>>
    %dma_start3A_247 = arith.constant 8000 : i32
    %dma_start3A_248 = arith.constant 0 : i32
    %dma_start3A_249 = tpu.memref_slice %arg2[%dma_start3A_247, %dma_start3A_248] : memref<10000x256xf32, #tpu.memory_space<vmem>> -> memref<1000x256xf32, #tpu.memory_space<vmem>>
    tpu.enqueue_dma source(%dma_start3A_249 : memref<1000x256xf32, #tpu.memory_space<vmem>>) target(%dma_start3A_246 : memref<1000x256xf32, #tpu.memory_space<any>>) target_semaphore(%dma_start3A_243 : memref<!tpu.dma_semaphore, #tpu.memory_space<semaphore_mem>>)
    %dma_wait3A_250 = arith.constant 9 : i32
    %dma_wait3A_251 = tpu.memref_slice %arg3[%dma_wait3A_250] : memref<10x!tpu.dma_semaphore, #tpu.memory_space<semaphore_mem>> -> memref<1x!tpu.dma_semaphore, #tpu.memory_space<semaphore_mem>>
    %dma_wait3A_252 = tpu.memref_squeeze %dma_wait3A_251 : memref<1x!tpu.dma_semaphore, #tpu.memory_space<semaphore_mem>> -> memref<!tpu.dma_semaphore, #tpu.memory_space<semaphore_mem>>
    %dma_wait3A_253 = arith.constant 9000 : i32
    %dma_wait3A_254 = arith.constant 0 : i32
    %dma_wait3A_255 = tpu.memref_slice %arg2[%dma_wait3A_253, %dma_wait3A_254] : memref<10000x256xf32, #tpu.memory_space<vmem>> -> memref<1000x256xf32, #tpu.memory_space<vmem>>
    %dma_wait3A_256 = arith.constant 9000 : i32
    %dma_wait3A_257 = arith.constant 0 : i32
    %dma_wait3A_258 = tpu.memref_slice %arg0[%dma_wait3A_256, %dma_wait3A_257] : memref<10000x256xf32, #tpu.memory_space<any>> -> memref<1000x256xf32, #tpu.memory_space<any>>
    tpu.wait_dma2 semaphore(%dma_wait3A_252 : memref<!tpu.dma_semaphore, #tpu.memory_space<semaphore_mem>>) src(%dma_wait3A_258 : memref<1000x256xf32, #tpu.memory_space<any>>) dst(%dma_wait3A_255 : memref<1000x256xf32, #tpu.memory_space<vmem>>)
    %dma_start3A_259 = arith.constant 9 : i32
    %dma_start3A_260 = tpu.memref_slice %arg4[%dma_start3A_259] : memref<10x!tpu.dma_semaphore, #tpu.memory_space<semaphore_mem>> -> memref<1x!tpu.dma_semaphore, #tpu.memory_space<semaphore_mem>>
    %dma_start3A_261 = tpu.memref_squeeze %dma_start3A_260 : memref<1x!tpu.dma_semaphore, #tpu.memory_space<semaphore_mem>> -> memref<!tpu.dma_semaphore, #tpu.memory_space<semaphore_mem>>
    %dma_start3A_262 = arith.constant 9000 : i32
    %dma_start3A_263 = arith.constant 0 : i32
    %dma_start3A_264 = tpu.memref_slice %arg1[%dma_start3A_262, %dma_start3A_263] : memref<10000x256xf32, #tpu.memory_space<any>> -> memref<1000x256xf32, #tpu.memory_space<any>>
    %dma_start3A_265 = arith.constant 9000 : i32
    %dma_start3A_266 = arith.constant 0 : i32
    %dma_start3A_267 = tpu.memref_slice %arg2[%dma_start3A_265, %dma_start3A_266] : memref<10000x256xf32, #tpu.memory_space<vmem>> -> memref<1000x256xf32, #tpu.memory_space<vmem>>
    tpu.enqueue_dma source(%dma_start3A_267 : memref<1000x256xf32, #tpu.memory_space<vmem>>) target(%dma_start3A_264 : memref<1000x256xf32, #tpu.memory_space<any>>) target_semaphore(%dma_start3A_261 : memref<!tpu.dma_semaphore, #tpu.memory_space<semaphore_mem>>)
    %dma_wait3A_268 = arith.constant 0 : i32
    %dma_wait3A_269 = tpu.memref_slice %arg4[%dma_wait3A_268] : memref<10x!tpu.dma_semaphore, #tpu.memory_space<semaphore_mem>> -> memref<1x!tpu.dma_semaphore, #tpu.memory_space<semaphore_mem>>
    %dma_wait3A_270 = tpu.memref_squeeze %dma_wait3A_269 : memref<1x!tpu.dma_semaphore, #tpu.memory_space<semaphore_mem>> -> memref<!tpu.dma_semaphore, #tpu.memory_space<semaphore_mem>>
    %dma_wait3A_271 = arith.constant 0 : i32
    %dma_wait3A_272 = arith.constant 0 : i32
    %dma_wait3A_273 = tpu.memref_slice %arg1[%dma_wait3A_271, %dma_wait3A_272] : memref<10000x256xf32, #tpu.memory_space<any>> -> memref<1000x256xf32, #tpu.memory_space<any>>
    %dma_wait3A_274 = arith.constant 0 : i32
    %dma_wait3A_275 = arith.constant 0 : i32
    %dma_wait3A_276 = tpu.memref_slice %arg2[%dma_wait3A_274, %dma_wait3A_275] : memref<10000x256xf32, #tpu.memory_space<vmem>> -> memref<1000x256xf32, #tpu.memory_space<vmem>>
    tpu.wait_dma2 semaphore(%dma_wait3A_270 : memref<!tpu.dma_semaphore, #tpu.memory_space<semaphore_mem>>) src(%dma_wait3A_276 : memref<1000x256xf32, #tpu.memory_space<vmem>>) dst(%dma_wait3A_273 : memref<1000x256xf32, #tpu.memory_space<any>>)
    %dma_wait3A_277 = arith.constant 1 : i32
    %dma_wait3A_278 = tpu.memref_slice %arg4[%dma_wait3A_277] : memref<10x!tpu.dma_semaphore, #tpu.memory_space<semaphore_mem>> -> memref<1x!tpu.dma_semaphore, #tpu.memory_space<semaphore_mem>>
    %dma_wait3A_279 = tpu.memref_squeeze %dma_wait3A_278 : memref<1x!tpu.dma_semaphore, #tpu.memory_space<semaphore_mem>> -> memref<!tpu.dma_semaphore, #tpu.memory_space<semaphore_mem>>
    %dma_wait3A_280 = arith.constant 1000 : i32
    %dma_wait3A_281 = arith.constant 0 : i32
    %dma_wait3A_282 = tpu.memref_slice %arg1[%dma_wait3A_280, %dma_wait3A_281] : memref<10000x256xf32, #tpu.memory_space<any>> -> memref<1000x256xf32, #tpu.memory_space<any>>
    %dma_wait3A_283 = arith.constant 1000 : i32
    %dma_wait3A_284 = arith.constant 0 : i32
    %dma_wait3A_285 = tpu.memref_slice %arg2[%dma_wait3A_283, %dma_wait3A_284] : memref<10000x256xf32, #tpu.memory_space<vmem>> -> memref<1000x256xf32, #tpu.memory_space<vmem>>
    tpu.wait_dma2 semaphore(%dma_wait3A_279 : memref<!tpu.dma_semaphore, #tpu.memory_space<semaphore_mem>>) src(%dma_wait3A_285 : memref<1000x256xf32, #tpu.memory_space<vmem>>) dst(%dma_wait3A_282 : memref<1000x256xf32, #tpu.memory_space<any>>)
    %dma_wait3A_286 = arith.constant 2 : i32
    %dma_wait3A_287 = tpu.memref_slice %arg4[%dma_wait3A_286] : memref<10x!tpu.dma_semaphore, #tpu.memory_space<semaphore_mem>> -> memref<1x!tpu.dma_semaphore, #tpu.memory_space<semaphore_mem>>
    %dma_wait3A_288 = tpu.memref_squeeze %dma_wait3A_287 : memref<1x!tpu.dma_semaphore, #tpu.memory_space<semaphore_mem>> -> memref<!tpu.dma_semaphore, #tpu.memory_space<semaphore_mem>>
    %dma_wait3A_289 = arith.constant 2000 : i32
    %dma_wait3A_290 = arith.constant 0 : i32
    %dma_wait3A_291 = tpu.memref_slice %arg1[%dma_wait3A_289, %dma_wait3A_290] : memref<10000x256xf32, #tpu.memory_space<any>> -> memref<1000x256xf32, #tpu.memory_space<any>>
    %dma_wait3A_292 = arith.constant 2000 : i32
    %dma_wait3A_293 = arith.constant 0 : i32
    %dma_wait3A_294 = tpu.memref_slice %arg2[%dma_wait3A_292, %dma_wait3A_293] : memref<10000x256xf32, #tpu.memory_space<vmem>> -> memref<1000x256xf32, #tpu.memory_space<vmem>>
    tpu.wait_dma2 semaphore(%dma_wait3A_288 : memref<!tpu.dma_semaphore, #tpu.memory_space<semaphore_mem>>) src(%dma_wait3A_294 : memref<1000x256xf32, #tpu.memory_space<vmem>>) dst(%dma_wait3A_291 : memref<1000x256xf32, #tpu.memory_space<any>>)
    %dma_wait3A_295 = arith.constant 3 : i32
    %dma_wait3A_296 = tpu.memref_slice %arg4[%dma_wait3A_295] : memref<10x!tpu.dma_semaphore, #tpu.memory_space<semaphore_mem>> -> memref<1x!tpu.dma_semaphore, #tpu.memory_space<semaphore_mem>>
    %dma_wait3A_297 = tpu.memref_squeeze %dma_wait3A_296 : memref<1x!tpu.dma_semaphore, #tpu.memory_space<semaphore_mem>> -> memref<!tpu.dma_semaphore, #tpu.memory_space<semaphore_mem>>
    %dma_wait3A_298 = arith.constant 3000 : i32
    %dma_wait3A_299 = arith.constant 0 : i32
    %dma_wait3A_300 = tpu.memref_slice %arg1[%dma_wait3A_298, %dma_wait3A_299] : memref<10000x256xf32, #tpu.memory_space<any>> -> memref<1000x256xf32, #tpu.memory_space<any>>
    %dma_wait3A_301 = arith.constant 3000 : i32
    %dma_wait3A_302 = arith.constant 0 : i32
    %dma_wait3A_303 = tpu.memref_slice %arg2[%dma_wait3A_301, %dma_wait3A_302] : memref<10000x256xf32, #tpu.memory_space<vmem>> -> memref<1000x256xf32, #tpu.memory_space<vmem>>
    tpu.wait_dma2 semaphore(%dma_wait3A_297 : memref<!tpu.dma_semaphore, #tpu.memory_space<semaphore_mem>>) src(%dma_wait3A_303 : memref<1000x256xf32, #tpu.memory_space<vmem>>) dst(%dma_wait3A_300 : memref<1000x256xf32, #tpu.memory_space<any>>)
    %dma_wait3A_304 = arith.constant 4 : i32
    %dma_wait3A_305 = tpu.memref_slice %arg4[%dma_wait3A_304] : memref<10x!tpu.dma_semaphore, #tpu.memory_space<semaphore_mem>> -> memref<1x!tpu.dma_semaphore, #tpu.memory_space<semaphore_mem>>
    %dma_wait3A_306 = tpu.memref_squeeze %dma_wait3A_305 : memref<1x!tpu.dma_semaphore, #tpu.memory_space<semaphore_mem>> -> memref<!tpu.dma_semaphore, #tpu.memory_space<semaphore_mem>>
    %dma_wait3A_307 = arith.constant 4000 : i32
    %dma_wait3A_308 = arith.constant 0 : i32
    %dma_wait3A_309 = tpu.memref_slice %arg1[%dma_wait3A_307, %dma_wait3A_308] : memref<10000x256xf32, #tpu.memory_space<any>> -> memref<1000x256xf32, #tpu.memory_space<any>>
    %dma_wait3A_310 = arith.constant 4000 : i32
    %dma_wait3A_311 = arith.constant 0 : i32
    %dma_wait3A_312 = tpu.memref_slice %arg2[%dma_wait3A_310, %dma_wait3A_311] : memref<10000x256xf32, #tpu.memory_space<vmem>> -> memref<1000x256xf32, #tpu.memory_space<vmem>>
    tpu.wait_dma2 semaphore(%dma_wait3A_306 : memref<!tpu.dma_semaphore, #tpu.memory_space<semaphore_mem>>) src(%dma_wait3A_312 : memref<1000x256xf32, #tpu.memory_space<vmem>>) dst(%dma_wait3A_309 : memref<1000x256xf32, #tpu.memory_space<any>>)
    %dma_wait3A_313 = arith.constant 5 : i32
    %dma_wait3A_314 = tpu.memref_slice %arg4[%dma_wait3A_313] : memref<10x!tpu.dma_semaphore, #tpu.memory_space<semaphore_mem>> -> memref<1x!tpu.dma_semaphore, #tpu.memory_space<semaphore_mem>>
    %dma_wait3A_315 = tpu.memref_squeeze %dma_wait3A_314 : memref<1x!tpu.dma_semaphore, #tpu.memory_space<semaphore_mem>> -> memref<!tpu.dma_semaphore, #tpu.memory_space<semaphore_mem>>
    %dma_wait3A_316 = arith.constant 5000 : i32
    %dma_wait3A_317 = arith.constant 0 : i32
    %dma_wait3A_318 = tpu.memref_slice %arg1[%dma_wait3A_316, %dma_wait3A_317] : memref<10000x256xf32, #tpu.memory_space<any>> -> memref<1000x256xf32, #tpu.memory_space<any>>
    %dma_wait3A_319 = arith.constant 5000 : i32
    %dma_wait3A_320 = arith.constant 0 : i32
    %dma_wait3A_321 = tpu.memref_slice %arg2[%dma_wait3A_319, %dma_wait3A_320] : memref<10000x256xf32, #tpu.memory_space<vmem>> -> memref<1000x256xf32, #tpu.memory_space<vmem>>
    tpu.wait_dma2 semaphore(%dma_wait3A_315 : memref<!tpu.dma_semaphore, #tpu.memory_space<semaphore_mem>>) src(%dma_wait3A_321 : memref<1000x256xf32, #tpu.memory_space<vmem>>) dst(%dma_wait3A_318 : memref<1000x256xf32, #tpu.memory_space<any>>)
    %dma_wait3A_322 = arith.constant 6 : i32
    %dma_wait3A_323 = tpu.memref_slice %arg4[%dma_wait3A_322] : memref<10x!tpu.dma_semaphore, #tpu.memory_space<semaphore_mem>> -> memref<1x!tpu.dma_semaphore, #tpu.memory_space<semaphore_mem>>
    %dma_wait3A_324 = tpu.memref_squeeze %dma_wait3A_323 : memref<1x!tpu.dma_semaphore, #tpu.memory_space<semaphore_mem>> -> memref<!tpu.dma_semaphore, #tpu.memory_space<semaphore_mem>>
    %dma_wait3A_325 = arith.constant 6000 : i32
    %dma_wait3A_326 = arith.constant 0 : i32
    %dma_wait3A_327 = tpu.memref_slice %arg1[%dma_wait3A_325, %dma_wait3A_326] : memref<10000x256xf32, #tpu.memory_space<any>> -> memref<1000x256xf32, #tpu.memory_space<any>>
    %dma_wait3A_328 = arith.constant 6000 : i32
    %dma_wait3A_329 = arith.constant 0 : i32
    %dma_wait3A_330 = tpu.memref_slice %arg2[%dma_wait3A_328, %dma_wait3A_329] : memref<10000x256xf32, #tpu.memory_space<vmem>> -> memref<1000x256xf32, #tpu.memory_space<vmem>>
    tpu.wait_dma2 semaphore(%dma_wait3A_324 : memref<!tpu.dma_semaphore, #tpu.memory_space<semaphore_mem>>) src(%dma_wait3A_330 : memref<1000x256xf32, #tpu.memory_space<vmem>>) dst(%dma_wait3A_327 : memref<1000x256xf32, #tpu.memory_space<any>>)
    %dma_wait3A_331 = arith.constant 7 : i32
    %dma_wait3A_332 = tpu.memref_slice %arg4[%dma_wait3A_331] : memref<10x!tpu.dma_semaphore, #tpu.memory_space<semaphore_mem>> -> memref<1x!tpu.dma_semaphore, #tpu.memory_space<semaphore_mem>>
    %dma_wait3A_333 = tpu.memref_squeeze %dma_wait3A_332 : memref<1x!tpu.dma_semaphore, #tpu.memory_space<semaphore_mem>> -> memref<!tpu.dma_semaphore, #tpu.memory_space<semaphore_mem>>
    %dma_wait3A_334 = arith.constant 7000 : i32
    %dma_wait3A_335 = arith.constant 0 : i32
    %dma_wait3A_336 = tpu.memref_slice %arg1[%dma_wait3A_334, %dma_wait3A_335] : memref<10000x256xf32, #tpu.memory_space<any>> -> memref<1000x256xf32, #tpu.memory_space<any>>
    %dma_wait3A_337 = arith.constant 7000 : i32
    %dma_wait3A_338 = arith.constant 0 : i32
    %dma_wait3A_339 = tpu.memref_slice %arg2[%dma_wait3A_337, %dma_wait3A_338] : memref<10000x256xf32, #tpu.memory_space<vmem>> -> memref<1000x256xf32, #tpu.memory_space<vmem>>
    tpu.wait_dma2 semaphore(%dma_wait3A_333 : memref<!tpu.dma_semaphore, #tpu.memory_space<semaphore_mem>>) src(%dma_wait3A_339 : memref<1000x256xf32, #tpu.memory_space<vmem>>) dst(%dma_wait3A_336 : memref<1000x256xf32, #tpu.memory_space<any>>)
    %dma_wait3A_340 = arith.constant 8 : i32
    %dma_wait3A_341 = tpu.memref_slice %arg4[%dma_wait3A_340] : memref<10x!tpu.dma_semaphore, #tpu.memory_space<semaphore_mem>> -> memref<1x!tpu.dma_semaphore, #tpu.memory_space<semaphore_mem>>
    %dma_wait3A_342 = tpu.memref_squeeze %dma_wait3A_341 : memref<1x!tpu.dma_semaphore, #tpu.memory_space<semaphore_mem>> -> memref<!tpu.dma_semaphore, #tpu.memory_space<semaphore_mem>>
    %dma_wait3A_343 = arith.constant 8000 : i32
    %dma_wait3A_344 = arith.constant 0 : i32
    %dma_wait3A_345 = tpu.memref_slice %arg1[%dma_wait3A_343, %dma_wait3A_344] : memref<10000x256xf32, #tpu.memory_space<any>> -> memref<1000x256xf32, #tpu.memory_space<any>>
    %dma_wait3A_346 = arith.constant 8000 : i32
    %dma_wait3A_347 = arith.constant 0 : i32
    %dma_wait3A_348 = tpu.memref_slice %arg2[%dma_wait3A_346, %dma_wait3A_347] : memref<10000x256xf32, #tpu.memory_space<vmem>> -> memref<1000x256xf32, #tpu.memory_space<vmem>>
    tpu.wait_dma2 semaphore(%dma_wait3A_342 : memref<!tpu.dma_semaphore, #tpu.memory_space<semaphore_mem>>) src(%dma_wait3A_348 : memref<1000x256xf32, #tpu.memory_space<vmem>>) dst(%dma_wait3A_345 : memref<1000x256xf32, #tpu.memory_space<any>>)
    %dma_wait3A_349 = arith.constant 9 : i32
    %dma_wait3A_350 = tpu.memref_slice %arg4[%dma_wait3A_349] : memref<10x!tpu.dma_semaphore, #tpu.memory_space<semaphore_mem>> -> memref<1x!tpu.dma_semaphore, #tpu.memory_space<semaphore_mem>>
    %dma_wait3A_351 = tpu.memref_squeeze %dma_wait3A_350 : memref<1x!tpu.dma_semaphore, #tpu.memory_space<semaphore_mem>> -> memref<!tpu.dma_semaphore, #tpu.memory_space<semaphore_mem>>
    %dma_wait3A_352 = arith.constant 9000 : i32
    %dma_wait3A_353 = arith.constant 0 : i32
    %dma_wait3A_354 = tpu.memref_slice %arg1[%dma_wait3A_352, %dma_wait3A_353] : memref<10000x256xf32, #tpu.memory_space<any>> -> memref<1000x256xf32, #tpu.memory_space<any>>
    %dma_wait3A_355 = arith.constant 9000 : i32
    %dma_wait3A_356 = arith.constant 0 : i32
    %dma_wait3A_357 = tpu.memref_slice %arg2[%dma_wait3A_355, %dma_wait3A_356] : memref<10000x256xf32, #tpu.memory_space<vmem>> -> memref<1000x256xf32, #tpu.memory_space<vmem>>
    tpu.wait_dma2 semaphore(%dma_wait3A_351 : memref<!tpu.dma_semaphore, #tpu.memory_space<semaphore_mem>>) src(%dma_wait3A_357 : memref<1000x256xf32, #tpu.memory_space<vmem>>) dst(%dma_wait3A_354 : memref<1000x256xf32, #tpu.memory_space<any>>)
    return
  }
}

</mosaic_0001>

<sc_bundles>
// kernel: kernel.4.cloned.1.call-start
scs
__scs_entry_jumppad:
0x0: {  	(pc) =	sbr.rel $0x88, $3  }
0x1: {  	(tag) =	ssettag $0x0;
	lr =	simm.s32 $0x1  }
0x2: {  	[smem:$0x3F9F] =	sst lr;
	_ =	strace $0xD0000000  }
0x3: {  	_ = 	snop  }
0x4: {  	_ = 	snop  }
0x5: {  	_ = 	snop  }
0x6: {  	_ = 	snop  }
0x7: {  	_ = 	snop  }
__scs_overlays_trampoline_lowered:
0x8: {  	[smem:$0x3FAE] =	sst s0  }
0x9: {  	[smem:$0x3FAF] =	sst s1  }
0xa: {  	[smem:$0x3FB0] =	sst s2  }
0xb: {  	[smem:$0x3FB1] =	sst s3  }
0xc: {  	[smem:$0x3FB2] =	sst s4  }
0xd: {  	[smem:$0x3FB3] =	sst s5  }
0xe: {  	[smem:$0x3FB4] =	sst s6  }
0xf: {  	[smem:$0x3FB5] =	sst s7  }
0x10: {  	[smem:$0x3FB6] =	sst s8  }
0x11: {  	[smem:$0x3FB7] =	sst s9;
	s0 =	simm.s32 @!p0 $0x0  }
0x12: {  	s1 =	sld [smem:$0x3F9D];
	s0 =	simm.s32 @p0 $0x1  }
0x13: {  	[smem:$0x3FB8] =	sst s0;
	s0 =	simm.s32 @!p1 $0x0  }
0x14: {  	s2 =	sld [smem:$0x3F9C];
	s0 =	simm.s32 @p1 $0x1  }
0x15: {  	[smem:$0x3FB9] =	sst s0;
	s0 =	simm.s32 @!p2 $0x0  }
0x16: {  	s3 =	sld [smem:$0x3FDB];
	s0 =	simm.s32 @p2 $0x1  }
0x17: {  	s4 =	simm.s32 $0x1BF5;
	[smem:$0x3FBB] =	sst s0  }
0x18: {  	s0 =	sld [smem:$0x3F9E];
	_ =	swait.ge [sflag:s4], $0x0  }
0x19: {  	s7 =	sld [smem:$0x3F9F]  }
0x1a: {  	s8 =	sadd.s32 $0xFFFFE003, lr  }
0x1b: {  	s9 =	sadd.s32 $0xFFFFFEF7, lr;
	s5 =	simm.s32 $0xFFFFFFFF;
	p2 =	slt.u32 s8, $0xFFFFF086  }
0x1c: {  	p1 =	slt.u32 s9, $0xF7A;
	s5 =	simm.s32 @!p2 $0x0  }
0x1d: {  	s5 =	simm.s32 @p1 $0x1;
	p0 =	seq.s32 s7, s2  }
0x1e: {  	s7 =	smul.u32 @!p0 $0xF7A, s2;
	p2 =	seq.s32 @!p0 s5, $0x0  }
0x1f: {  	s9 =	smul.u32 $0xF7A, s1;
	s8 =	simm.s32 @!p0 $0x1BF5;
	p2 =	por !p2, p0  }
0x20: {  	[sflag:s8] =	ssyncset.s32 @!p0 $0xFFFFF086;
	s6 =	sadd.s32 @!p0 s3, s7;
	s7 =	simm.s32 @!p0 $0x108  }
0x21: {  	s3 =	sadd.s32 s3, s9;
	s6 =	sadd.s32 @!p0 $0x88, s6;
	s7 =	simm.s32 @p2 $0x1082  }
0x22: {  	[simem:s7], [sflag:s8] =	dma.local @!p0 [hbm:s6], $0xF7A  }
0x23: {  	s9 =	sor.u32 $0xD0000000, s2;
	s6 =	simm.s32 $0x108;
	_ =	swait.ge @!p0 [sflag:s8], $0x0  }
0x24: {  	s3 =	sadd.s32 $0x88, s3;
	s6 =	simm.s32 @!p1 $0x1082;
	[sflag:s4] =	ssyncset.s32 $0xFFFFF086  }
0x25: {  	[simem:s6], [sflag:s4] =	dma.local [hbm:s3], $0xF7A  }
0x26: {  	[smem:$0x3F9F] =	sst s1;
	(tag) =	ssettag s2;
	_ =	strace s9  }
0x27: {  	s1 =	sld [smem:$0x3FAF]  }
0x28: {  	s2 =	sld [smem:$0x3FB0]  }
0x29: {  	s4 =	sld [smem:$0x3FB2]  }
0x2a: {  	p0 =	seq.s32 s5, $0x0;
	s5 =	sld [smem:$0x3FB3]  }
0x2b: {  	s6 =	sld [smem:$0x3FB4]  }
0x2c: {  	s7 =	sld [smem:$0x3FB5]  }
0x2d: {  	s3 =	simm.s32 $0x108;
	s8 =	sld [smem:$0x3FB6]  }
0x2e: {  	s3 =	simm.s32 @!p0 $0x1082;
	s9 =	sld [smem:$0x3FB7]  }
0x2f: {  	lr =	sadd.s32 s0, s3;
	s0 =	sld [smem:$0x3FAE]  }
0x30: {  	s3 =	sld [smem:$0x3FB1]  }
0x31: {  	[smem:$0x3FBA] =	sst s10  }
0x32: {  	s10 =	sld [smem:$0x3FB8];
	_ =	sdelay $0x3  }
0x33: {  	p0 =	seq.s32 s10, $0x1;
	s10 =	sld [smem:$0x3FBA];
	_ =	sdelay $0x3  }
0x34: {  	[smem:$0x3FBA] =	sst s10  }
0x35: {  	s10 =	sld [smem:$0x3FB9];
	_ =	sdelay $0x3  }
0x36: {  	p1 =	seq.s32 s10, $0x1;
	s10 =	sld [smem:$0x3FBA];
	_ =	sdelay $0x3  }
0x37: {  	[smem:$0x3FBA] =	sst s10  }
0x38: {  	s10 =	sld [smem:$0x3FBB]  }
0x39: {  	_ = 	snop;
	(pc) =	sbr.ind lr, $3  }
0x3a: {  	_ = 	snop  }
0x3b: {  	_ = 	snop  }
0x3c: {  	p2 =	seq.s32 s10, $0x1;
	s10 =	sld [smem:$0x3FBA]  }
0x3d: {  	_ =	shalt  }
0x3e: {  	_ =	shalt  }
0x3f: {  	_ =	shalt  }
0x40: {  	_ =	shalt  }
0x41: {  	_ =	shalt  }
0x42: {  	_ =	shalt  }
0x43: {  	_ =	shalt  }
0x44: {  	_ =	shalt  }
0x45: {  	_ =	shalt  }
0x46: {  	_ =	shalt  }
0x47: {  	_ =	shalt  }
0x48: {  	_ =	shalt  }
0x49: {  	_ =	shalt  }
0x4a: {  	_ =	shalt  }
0x4b: {  	_ =	shalt  }
0x4c: {  	_ =	shalt  }
0x4d: {  	_ =	shalt  }
0x4e: {  	_ =	shalt  }
0x4f: {  	_ =	shalt  }
0x50: {  	_ =	shalt  }
0x51: {  	_ =	shalt  }
0x52: {  	_ =	shalt  }
0x53: {  	_ =	shalt  }
0x54: {  	_ =	shalt  }
0x55: {  	_ =	shalt  }
0x56: {  	_ =	shalt  }
0x57: {  	_ =	shalt  }
0x58: {  	_ =	shalt  }
0x59: {  	_ =	shalt  }
0x5a: {  	_ =	shalt  }
0x5b: {  	_ =	shalt  }
0x5c: {  	_ =	shalt  }
0x5d: {  	_ =	shalt  }
0x5e: {  	_ =	shalt  }
0x5f: {  	_ =	shalt  }
0x60: {  	_ =	shalt  }
0x61: {  	_ =	shalt  }
0x62: {  	_ =	shalt  }
0x63: {  	_ =	shalt  }
0x64: {  	_ =	shalt  }
0x65: {  	_ =	shalt  }
0x66: {  	_ =	shalt  }
0x67: {  	_ =	shalt  }
0x68: {  	_ =	shalt  }
0x69: {  	_ =	shalt  }
0x6a: {  	_ =	shalt  }
0x6b: {  	_ =	shalt  }
0x6c: {  	_ =	shalt  }
0x6d: {  	_ =	shalt  }
0x6e: {  	_ =	shalt  }
0x6f: {  	_ =	shalt  }
0x70: {  	_ =	shalt  }
0x71: {  	_ =	shalt  }
0x72: {  	_ =	shalt  }
0x73: {  	_ =	shalt  }
0x74: {  	_ =	shalt  }
0x75: {  	_ =	shalt  }
0x76: {  	_ =	shalt  }
0x77: {  	_ =	shalt  }
0x78: {  	_ =	shalt  }
0x79: {  	_ =	shalt  }
0x7a: {  	_ =	shalt  }
0x7b: {  	_ =	shalt  }
0x7c: {  	_ =	shalt  }
0x7d: {  	_ =	shalt  }
0x7e: {  	_ =	shalt  }
0x7f: {  	_ =	shalt  }
0x80: {  	_ =	shalt  }
0x81: {  	_ =	shalt  }
0x82: {  	_ =	shalt  }
0x83: {  	_ =	shalt  }
0x84: {  	_ =	shalt  }
0x85: {  	_ =	shalt  }
0x86: {  	_ =	shalt  }
0x87: {  	_ =	shalt  }
.Lfunc_end0:
.L_simem_size_0:
called_computation_lowered:
.L_overlay_start_0:
0x88: {  	s2 =	sld [smem:$0x3FD9]  }
0x89: {  	s3 =	sld [smem:$0x3FFE];
	_ =	sdelay $0x1  }
0x8a: {  	s1 =	srdreg.scid  }
0x8b: {  	s0 =	sand.u32 $0x1, s1  }
0x8c: {  	s16 =	sshll.u32 s0, $0xA;
	s2 =	sadd.s32 s3, s2  }
0x8d: {  	s2 =	sadd.s32 s2, s16  }
0x8e: {  	[smem:$0x3FC6] =	sst s2  }
0x8f: {  	_ = 	snop  }
0x90: {  	(tm) =	ssettm $0x1  }
0x91: {  	s17 =	sld [smem:$0x3FFB];
	_ =	sdelay $0x3  }
0x92: {  	_ =	strace s17  }
0x93: {  	s2 =	sld [smem:$0x3FFC];
	_ =	sdelay $0x3  }
0x94: {  	_ =	strace s2  }
0x95: {  	s2 =	sld [smem:$0x3FFD];
	_ =	sdelay $0x3  }
0x96: {  	_ =	strace s2  }
0x97: {  	_ =	strace $0x8FFFFFFF  }
0x98: {  	s18 =	sld [smem:$0x3FDB];
	_ =	sdelay $0x1  }
0x99: {  	s19 =	simm.s32 $_scs_section_size  }
0x9a: {  	s4 =	simm.s32 $_size__tile_overlayer_lowered;
	s5 =	simm.s32 $_tile_overlayer_lowered  }
0x9b: {  	s22 =	simm.s32 $0x1BFF;
	s21 =	sshll.u32 s5, $0x1;
	s2 =	sadd.s32 s19, s18  }
0x9c: {  	s6 =	simm.s32 $0x0;
	s20 =	sshll.u32 s4, $0x1;
	s4 =	sadd.s32 s21, s2  }
0x9d: {  	[timem:s6], [sflag:s22] =	dma.local [hbm:s4], s20  }
0x9e: {  	_ =	swait.ge [sflag:s22], s20  }
0x9f: {  	s3 =	ssub.s32 $0x0, s20;
	[sflag:s22] =	ssyncset.done $0x0  }
0xa0: {  	[sflag:s22] =	ssyncadd.s32 s3;
	_ =	sdelay $0x1  }
0xa1: {  	s23 =	simm.s32 $0x1B8B  }
0xa2: {  	_ =	swait.ge [sflag:s23], $0x1  }
0xa3: {  	[sflag:s23] =	ssyncset.done $0x0  }
0xa4: {  	s25 =	simm.s32 $0x1B8E;
	s24 =	sld [smem:$0x3FFE];
	[sflag:s23] =	ssyncadd.s32 $0xFFFFFFFF  }
0xa5: {  	s26 =	simm.s32 $execute0_lowered;
	[smem:$0x3FD2] =	sst s25  }
0xa6: {  	s4 =	sshll.u32 s26, $0x1;
	_ =	strace $0x80000046;
	[dreg:$0x1] =	wrdreg $0xFFFFFFFF  }
0xa7: {  	s28 =	simm.s32 $_size_execute0_lowered;
	s2 =	sadd.s32 s2, s4;
	[dreg:$0x0] =	wrdreg $0x0  }
0xa8: {  	s4 =	sshll.u32 s28, $0x1;
	[dreg:$0x2] =	wrdreg s2  }
0xa9: {  	[dreg:$0x3] =	wrdreg s4  }
0xaa: {  	[dreg:$0x4] =	wrdreg $0xC0  }
0xab: {  	_ =	task [dreg:s6], $0x5FFFF  }
0xac: {  	[dreg:$0x1] =	wrdreg $0xFFFFFFFF  }
0xad: {  	[dreg:$0x0] =	wrdreg $0x60  }
0xae: {  	[dreg:$0x2] =	wrdreg s24  }
0xaf: {  	[dreg:$0x3] =	wrdreg $0x9  }
0xb0: {  	_ =	task.clear_ibuf [dreg:s6], $0x4FFFF;
	_ =	strace $0x90000046  }
0xb1: {  	s29 =	simm.s32 $0x9;
	_ =	strace $0x80000048  }
0xb2: {  	_ =	swait.ge [sflag:s29], $0x1  }
0xb3: {  	[sflag:s29] =	ssyncadd.s32 $0xFFFFFFFF  }
0xb4: {  	_ =	strace $0x90000048  }
0xb5: {  	_ =	sfence  }
0xb6: {  	s30 =	sld [smem:$0x0];
	_ =	sdelay $0x2  }
0xb7: {  	s31 =	sshll.u32 s1, $0xD;
	s1 =	sshrl.u32 s1, $0x2  }
0xb8: {  	s3 =	sand.u32 $0x4000, s31;
	s1 =	sadd.s32 s1, s30  }
0xb9: {  	s0 =	sor.u32 s3, s0;
	s1 =	sshll.u32 s1, $0x11  }
0xba: {  	s0 =	sor.u32 s1, s0  }
0xbb: {  	s0 =	sadd.s32 $0x8F2B, s0  }
0xbc: {  	[sflag:s0] =	ssyncadd.remote.s32 $0x1  }
0xbd: {  	_ =	sfence.sel $0xFFFF  }
0xbe: {  	[dreg:$0x0] =	wrdreg $0xFFFFFFFF;
	(pc) =	sbr.abs _section_cstart, $3  }
0xbf: {  	[dreg:$0x1] =	wrdreg $0xFFFFFFFF  }
0xc0: {  	_ =	task.clear_ibuf [dreg:s6], $0x2FFFF;
	_ =	strace $0x9FFFFFFF  }
0xc1: {  	(tm) =	ssettm $0x7FFFFFFF  }
tec
execute0_lowered:
.L_overlay_start_1:
0x0: {  	(tag) =	ssettag $0x1  }
0x1: {  	s0 =	srdreg.scid;
	s1 =	stileid.u32  }
0x2: {  	s5 =	sand.u32 $0x1, s0;
	s12 =	sshll.u32 s1, $0x1  }
0x3: {  	s0 =	sor.u32 s5, s12  }
0x4: {  	s4 =	smul.u32 $0x9C400, s0  }
0x5: {  	s3 =	rddreg [dreg:$0x0];
	s2 =	simm.s32 $0x0;
	s0 =	smul.u32 $0x13880, s0  }
0x6: {  	[smem:$0x7FF] =	sst s2;
	s1 =	sadd.s32 $0x600, s3  }
0x7: {  	s3 =	sadd.s32 $0x271600, s3;
	_ =	strace $0x80000047;
	s6 =	sadd.s32 s1, s0  }
0x8: {  	s4 =	sshrl.u32 s4, $0x3;
	s0 =	sadd.s32 s3, s0;
	[dreg:$0x2] =	wrdreg s6  }
0x9: {  	s7 =	sadd.s32 $0xC80, s4;
	[dreg:$0x4] =	wrdreg s0  }
0xa: {  	s14 =	sadd.s32 $0x1900, s4;
	s13 =	sadd.s32 s1, s7;
	s0 =	rddreg [dreg:$0x2]  }
0xb: {  	s15 =	sadd.s32 s1, s14;
	[dreg:$0x3] =	wrdreg s13  }
0xc: {  	s17 =	sadd.s32 $0x2580, s4;
	s16 =	sadd.s32 s3, s7;
	[dreg:$0x5] =	wrdreg s15  }
0xd: {  	s18 =	sadd.s32 s1, s17;
	[dreg:$0x6] =	wrdreg s16  }
0xe: {  	s20 =	sadd.s32 $0x3200, s4;
	s19 =	sadd.s32 s3, s14;
	[dreg:$0x7] =	wrdreg s18  }
0xf: {  	s21 =	sadd.s32 s1, s20;
	[dreg:$0x8] =	wrdreg s19  }
0x10: {  	s23 =	sadd.s32 $0x3E80, s4;
	s22 =	sadd.s32 s3, s17;
	[dreg:$0x9] =	wrdreg s21  }
0x11: {  	s24 =	sadd.s32 s1, s23;
	[dreg:$0xa] =	wrdreg s22  }
0x12: {  	s26 =	sadd.s32 $0x4B00, s4;
	s25 =	sadd.s32 s3, s20;
	[dreg:$0xb] =	wrdreg s24  }
0x13: {  	p0 =	por $0x0, $0x0;
	s8 =	sadd.s32 s1, s26;
	[dreg:$0xc] =	wrdreg s25  }
0x14: {  	s10 =	sadd.s32 $0x5780, s4;
	s9 =	sadd.s32 s3, s23;
	[dreg:$0xd] =	wrdreg s8  }
0x15: {  	s5 =	ssub.s32 $0x2, s5;
	s11 =	sadd.s32 s1, s10;
	[dreg:$0xe] =	wrdreg s9  }
0x16: {  	s6 =	sadd.s32 $0xFA00, s4;
	s12 =	sadd.s32 s3, s26;
	[dreg:$0xf] =	wrdreg s11  }
0x17: {  	s13 =	sadd.s32 $0x6400, s4;
	[dreg:$0x10] =	wrdreg s12;
	s15 =	sadd.s32 s3, s10  }
0x18: {  	s16 =	sadd.s32 $0x7080, s4;
	s19 =	sadd.s32 $0x7D00, s4;
	s22 =	sadd.s32 $0x8980, s4  }
0x19: {  	s25 =	sadd.s32 $0x9600, s4;
	s14 =	sadd.s32 s1, s13;
	[dreg:$0x12] =	wrdreg s15  }
0x1a: {  	s9 =	sadd.s32 $0xA280, s4;
	s17 =	sadd.s32 s1, s16;
	[dreg:$0x11] =	wrdreg s14  }
0x1b: {  	s8 =	sshrl.u32 s5, $0x1;
	s18 =	sadd.s32 s3, s13;
	[dreg:$0x13] =	wrdreg s17  }
0x1c: {  	s12 =	sadd.s32 $0xAF00, s4;
	s20 =	sadd.s32 s1, s19;
	[dreg:$0x14] =	wrdreg s18  }
0x1d: {  	s21 =	sadd.s32 s3, s16;
	s23 =	sadd.s32 s1, s22;
	[dreg:$0x15] =	wrdreg s20  }
0x1e: {  	s24 =	sadd.s32 s3, s19;
	s26 =	sadd.s32 s1, s25;
	[dreg:$0x16] =	wrdreg s21  }
0x1f: {  	s7 =	sadd.s32 s3, s22;
	s10 =	sadd.s32 s1, s9;
	[dreg:$0x17] =	wrdreg s23  }
0x20: {  	s8 =	ssub.s32 s5, s8;
	s11 =	sadd.s32 s3, s25;
	[dreg:$0x18] =	wrdreg s24  }
0x21: {  	s13 =	sadd.s32 $0xBB80, s4;
	s31 =	sadd.s32 s1, s12;
	[dreg:$0x19] =	wrdreg s26  }
0x22: {  	s30 =	sadd.s32 s3, s9;
	s28 =	sadd.s32 s3, s12;
	[dreg:$0x1a] =	wrdreg s7  }
0x23: {  	s15 =	sadd.s32 $0xD480, s4;
	s16 =	sadd.s32 $0xE100, s4;
	[dreg:$0x1b] =	wrdreg s10  }
0x24: {  	s9 =	sadd.s32 $0x11300, s4;
	[dreg:$0x1c] =	wrdreg s11;
	s29 =	sadd.s32 s1, s13  }
0x25: {  	s14 =	sadd.s32 $0xC800, s4;
	s25 =	sadd.s32 s3, s13;
	s24 =	sadd.s32 s1, s15  }
0x26: {  	s17 =	sadd.s32 $0xED80, s4;
	s22 =	sadd.s32 s1, s16;
	s21 =	sadd.s32 s3, s15  }
0x27: {  	s19 =	sadd.s32 s3, s16;
	s7 =	sadd.s32 $0x10680, s4;
	s18 =	sadd.s32 s1, s6  }
0x28: {  	s10 =	sadd.s32 $0x11F80, s4;
	s4 =	sadd.s32 $0x12C00, s4;
	s15 =	sadd.s32 s1, s9  }
0x29: {  	s9 =	sadd.s32 s3, s9;
	s13 =	smax.u32 s8, $0x1;
	s8 =	simm.s32 $0x1  }
0x2a: {  	s26 =	sadd.s32 s1, s14;
	s23 =	sadd.s32 s3, s14;
	p1 =	sne.s32 s13, $0x1  }
.Ltmp0:
0x2b: {  	s20 =	sadd.s32 s1, s17;
	s17 =	sadd.s32 s3, s17;
	(pc) =	sbr.rel @!p1 .LBB2_3-.Ltmp0, $4  }
0x2c: {  	s16 =	sadd.s32 s1, s7;
	s14 =	sadd.s32 s3, s6;
	s11 =	sadd.s32 s3, s7  }
0x2d: {  	s12 =	sadd.s32 s1, s10;
	s6 =	sadd.s32 s1, s4;
	s5 =	sadd.s32 s3, s10  }
0x2e: {  	s3 =	sadd.s32 s3, s4;
	s1 =	sadd.s32 $0xFFFFFFFF, s13;
	s10 =	simm.s32 $0x6400  }
0x2f: {  	s4 =	simm.s32 $0x3;
	s13 =	simm.s32 $0x2;
	s7 =	simm.s32 $0x4  }
0x30: {  	[dreg:$0x1d] =	wrdreg s1  }
0x31: {  	[tilespmem:s2], [sflag:$0x1] =	stream.linear.gather [hbm4b:s0+s2], $0x6400, $0x38;
	[tilespmem:$0xC800] =	vst v63  }
0x32: {  	s1 =	rddreg [dreg:$0x3]  }
0x33: {  	[tilespmem:s10], [sflag:$0x2] =	stream.linear.gather [hbm4b:s1+s2], $0x6400, $0x38;
	[tilespmem:$0xC800] =	vst v63  }
0x34: {  	_ =	swait.ge [sflag:s8], $0x6400  }
0x35: {  	[sflag:s8] =	ssyncset.done $0x0  }
0x36: {  	s1 =	rddreg [dreg:$0x4];
	[sflag:s8] =	ssyncadd.s32 $0xFFFF9C00  }
0x37: {  	[hbm4b:s1+s2] =	stream.linear.scatter [tilespmem:s2], [sflag:$0x3], $0x6400, $0x38;
	[tilespmem:$0xC800] =	vst v63  }
0x38: {  	_ =	swait.ge [sflag:s4], $0x6400  }
0x39: {  	[sflag:s4] =	ssyncset.done $0x0  }
0x3a: {  	s1 =	rddreg [dreg:$0x5];
	[sflag:s4] =	ssyncadd.s32 $0xFFFF9C00  }
0x3b: {  	[tilespmem:s2], [sflag:$0x1] =	stream.linear.gather [hbm4b:s1+s2], $0x6400, $0x38;
	[tilespmem:$0xC800] =	vst v63  }
0x3c: {  	_ =	swait.ge [sflag:s13], $0x6400  }
0x3d: {  	[sflag:s13] =	ssyncset.done $0x0  }
0x3e: {  	s1 =	rddreg [dreg:$0x6];
	[sflag:s13] =	ssyncadd.s32 $0xFFFF9C00  }
0x3f: {  	[hbm4b:s1+s2] =	stream.linear.scatter [tilespmem:s10], [sflag:$0x4], $0x6400, $0x38;
	[tilespmem:$0xC800] =	vst v63  }
0x40: {  	_ =	swait.ge [sflag:s7], $0x6400  }
0x41: {  	[sflag:s7] =	ssyncset.done $0x0  }
0x42: {  	s1 =	rddreg [dreg:$0x7];
	[sflag:s7] =	ssyncadd.s32 $0xFFFF9C00  }
0x43: {  	[tilespmem:s10], [sflag:$0x2] =	stream.linear.gather [hbm4b:s1+s2], $0x6400, $0x38;
	[tilespmem:$0xC800] =	vst v63  }
0x44: {  	_ =	swait.ge [sflag:s8], $0x6400  }
0x45: {  	[sflag:s8] =	ssyncset.done $0x0  }
0x46: {  	s1 =	rddreg [dreg:$0x8];
	[sflag:s8] =	ssyncadd.s32 $0xFFFF9C00  }
0x47: {  	[hbm4b:s1+s2] =	stream.linear.scatter [tilespmem:s2], [sflag:$0x3], $0x6400, $0x38;
	[tilespmem:$0xC800] =	vst v63  }
0x48: {  	_ =	swait.ge [sflag:s4], $0x6400  }
0x49: {  	[sflag:s4] =	ssyncset.done $0x0  }
0x4a: {  	s1 =	rddreg [dreg:$0x9];
	[sflag:s4] =	ssyncadd.s32 $0xFFFF9C00  }
0x4b: {  	[tilespmem:s2], [sflag:$0x1] =	stream.linear.gather [hbm4b:s1+s2], $0x6400, $0x38;
	[tilespmem:$0xC800] =	vst v63  }
0x4c: {  	_ =	swait.ge [sflag:s13], $0x6400  }
0x4d: {  	[sflag:s13] =	ssyncset.done $0x0  }
0x4e: {  	s1 =	rddreg [dreg:$0xa];
	[sflag:s13] =	ssyncadd.s32 $0xFFFF9C00  }
0x4f: {  	[hbm4b:s1+s2] =	stream.linear.scatter [tilespmem:s10], [sflag:$0x4], $0x6400, $0x38;
	[tilespmem:$0xC800] =	vst v63  }
0x50: {  	_ =	swait.ge [sflag:s7], $0x6400  }
0x51: {  	[sflag:s7] =	ssyncset.done $0x0  }
0x52: {  	s1 =	rddreg [dreg:$0xb];
	[sflag:s7] =	ssyncadd.s32 $0xFFFF9C00  }
0x53: {  	[tilespmem:s10], [sflag:$0x2] =	stream.linear.gather [hbm4b:s1+s2], $0x6400, $0x38;
	[tilespmem:$0xC800] =	vst v63  }
0x54: {  	_ =	swait.ge [sflag:s8], $0x6400  }
0x55: {  	[sflag:s8] =	ssyncset.done $0x0  }
0x56: {  	s1 =	rddreg [dreg:$0xc];
	[sflag:s8] =	ssyncadd.s32 $0xFFFF9C00  }
0x57: {  	[hbm4b:s1+s2] =	stream.linear.scatter [tilespmem:s2], [sflag:$0x3], $0x6400, $0x38;
	[tilespmem:$0xC800] =	vst v63  }
0x58: {  	_ =	swait.ge [sflag:s4], $0x6400  }
0x59: {  	[sflag:s4] =	ssyncset.done $0x0  }
0x5a: {  	s1 =	rddreg [dreg:$0xd];
	[sflag:s4] =	ssyncadd.s32 $0xFFFF9C00  }
0x5b: {  	[tilespmem:s2], [sflag:$0x1] =	stream.linear.gather [hbm4b:s1+s2], $0x6400, $0x38;
	[tilespmem:$0xC800] =	vst v63  }
0x5c: {  	_ =	swait.ge [sflag:s13], $0x6400  }
0x5d: {  	[sflag:s13] =	ssyncset.done $0x0  }
0x5e: {  	s1 =	rddreg [dreg:$0xe];
	[sflag:s13] =	ssyncadd.s32 $0xFFFF9C00  }
0x5f: {  	[hbm4b:s1+s2] =	stream.linear.scatter [tilespmem:s10], [sflag:$0x4], $0x6400, $0x38;
	[tilespmem:$0xC800] =	vst v63  }
0x60: {  	_ =	swait.ge [sflag:s7], $0x6400  }
0x61: {  	[sflag:s7] =	ssyncset.done $0x0  }
0x62: {  	s1 =	rddreg [dreg:$0xf];
	[sflag:s7] =	ssyncadd.s32 $0xFFFF9C00  }
0x63: {  	[tilespmem:s10], [sflag:$0x2] =	stream.linear.gather [hbm4b:s1+s2], $0x6400, $0x38;
	[tilespmem:$0xC800] =	vst v63  }
0x64: {  	_ =	swait.ge [sflag:s8], $0x6400  }
0x65: {  	[sflag:s8] =	ssyncset.done $0x0  }
0x66: {  	s1 =	rddreg [dreg:$0x10];
	[sflag:s8] =	ssyncadd.s32 $0xFFFF9C00  }
0x67: {  	[hbm4b:s1+s2] =	stream.linear.scatter [tilespmem:s2], [sflag:$0x3], $0x6400, $0x38;
	[tilespmem:$0xC800] =	vst v63  }
0x68: {  	_ =	swait.ge [sflag:s4], $0x6400  }
0x69: {  	[sflag:s4] =	ssyncset.done $0x0  }
0x6a: {  	s1 =	rddreg [dreg:$0x11];
	[sflag:s4] =	ssyncadd.s32 $0xFFFF9C00  }
0x6b: {  	[tilespmem:s2], [sflag:$0x1] =	stream.linear.gather [hbm4b:s1+s2], $0x6400, $0x38;
	[tilespmem:$0xC800] =	vst v63  }
0x6c: {  	_ =	swait.ge [sflag:s13], $0x6400  }
0x6d: {  	[sflag:s13] =	ssyncset.done $0x0  }
0x6e: {  	s1 =	rddreg [dreg:$0x12];
	[sflag:s13] =	ssyncadd.s32 $0xFFFF9C00  }
0x6f: {  	[hbm4b:s1+s2] =	stream.linear.scatter [tilespmem:s10], [sflag:$0x4], $0x6400, $0x38;
	[tilespmem:$0xC800] =	vst v63  }
0x70: {  	_ =	swait.ge [sflag:s7], $0x6400  }
0x71: {  	[sflag:s7] =	ssyncset.done $0x0  }
0x72: {  	s1 =	rddreg [dreg:$0x13];
	[sflag:s7] =	ssyncadd.s32 $0xFFFF9C00  }
0x73: {  	[tilespmem:s10], [sflag:$0x2] =	stream.linear.gather [hbm4b:s1+s2], $0x6400, $0x38;
	[tilespmem:$0xC800] =	vst v63  }
0x74: {  	_ =	swait.ge [sflag:s8], $0x6400  }
0x75: {  	[sflag:s8] =	ssyncset.done $0x0  }
0x76: {  	s1 =	rddreg [dreg:$0x14];
	[sflag:s8] =	ssyncadd.s32 $0xFFFF9C00  }
0x77: {  	[hbm4b:s1+s2] =	stream.linear.scatter [tilespmem:s2], [sflag:$0x3], $0x6400, $0x38;
	[tilespmem:$0xC800] =	vst v63  }
0x78: {  	_ =	swait.ge [sflag:s4], $0x6400  }
0x79: {  	[sflag:s4] =	ssyncset.done $0x0  }
0x7a: {  	s1 =	rddreg [dreg:$0x15];
	[sflag:s4] =	ssyncadd.s32 $0xFFFF9C00  }
0x7b: {  	[tilespmem:s2], [sflag:$0x1] =	stream.linear.gather [hbm4b:s1+s2], $0x6400, $0x38;
	[tilespmem:$0xC800] =	vst v63  }
0x7c: {  	_ =	swait.ge [sflag:s13], $0x6400  }
0x7d: {  	[sflag:s13] =	ssyncset.done $0x0  }
0x7e: {  	s1 =	rddreg [dreg:$0x16];
	[sflag:s13] =	ssyncadd.s32 $0xFFFF9C00  }
0x7f: {  	[hbm4b:s1+s2] =	stream.linear.scatter [tilespmem:s10], [sflag:$0x4], $0x6400, $0x38;
	[tilespmem:$0xC800] =	vst v63  }
0x80: {  	_ =	swait.ge [sflag:s7], $0x6400  }
0x81: {  	[sflag:s7] =	ssyncset.done $0x0  }
0x82: {  	s1 =	rddreg [dreg:$0x17];
	[sflag:s7] =	ssyncadd.s32 $0xFFFF9C00  }
0x83: {  	[tilespmem:s10], [sflag:$0x2] =	stream.linear.gather [hbm4b:s1+s2], $0x6400, $0x38;
	[tilespmem:$0xC800] =	vst v63  }
0x84: {  	_ =	swait.ge [sflag:s8], $0x6400  }
0x85: {  	[sflag:s8] =	ssyncset.done $0x0  }
0x86: {  	s1 =	rddreg [dreg:$0x18];
	[sflag:s8] =	ssyncadd.s32 $0xFFFF9C00  }
0x87: {  	[hbm4b:s1+s2] =	stream.linear.scatter [tilespmem:s2], [sflag:$0x3], $0x6400, $0x38;
	[tilespmem:$0xC800] =	vst v63  }
0x88: {  	_ =	swait.ge [sflag:s4], $0x6400  }
0x89: {  	[sflag:s4] =	ssyncset.done $0x0  }
0x8a: {  	s1 =	rddreg [dreg:$0x19];
	[sflag:s4] =	ssyncadd.s32 $0xFFFF9C00  }
0x8b: {  	[tilespmem:s2], [sflag:$0x1] =	stream.linear.gather [hbm4b:s1+s2], $0x6400, $0x38;
	[tilespmem:$0xC800] =	vst v63  }
0x8c: {  	_ =	swait.ge [sflag:s13], $0x6400  }
0x8d: {  	[sflag:s13] =	ssyncset.done $0x0  }
0x8e: {  	s1 =	rddreg [dreg:$0x1a];
	[sflag:s13] =	ssyncadd.s32 $0xFFFF9C00  }
0x8f: {  	[hbm4b:s1+s2] =	stream.linear.scatter [tilespmem:s10], [sflag:$0x4], $0x6400, $0x38;
	[tilespmem:$0xC800] =	vst v63  }
0x90: {  	_ =	swait.ge [sflag:s7], $0x6400  }
0x91: {  	[sflag:s7] =	ssyncset.done $0x0  }
0x92: {  	s1 =	rddreg [dreg:$0x1b];
	[sflag:s7] =	ssyncadd.s32 $0xFFFF9C00  }
0x93: {  	[tilespmem:s10], [sflag:$0x2] =	stream.linear.gather [hbm4b:s1+s2], $0x6400, $0x38;
	[tilespmem:$0xC800] =	vst v63  }
0x94: {  	_ =	swait.ge [sflag:s8], $0x6400  }
0x95: {  	[sflag:s8] =	ssyncset.done $0x0  }
0x96: {  	s1 =	rddreg [dreg:$0x1c];
	[sflag:s8] =	ssyncadd.s32 $0xFFFF9C00  }
0x97: {  	[hbm4b:s1+s2] =	stream.linear.scatter [tilespmem:s2], [sflag:$0x3], $0x6400, $0x38;
	[tilespmem:$0xC800] =	vst v63  }
0x98: {  	_ =	swait.ge [sflag:s4], $0x6400  }
0x99: {  	[sflag:s4] =	ssyncset.done $0x0  }
0x9a: {  	[sflag:s4] =	ssyncadd.s32 $0xFFFF9C00  }
0x9b: {  	[tilespmem:s2], [sflag:$0x1] =	stream.linear.gather [hbm4b:s31+s2], $0x6400, $0x38;
	[tilespmem:$0xC800] =	vst v63  }
0x9c: {  	_ =	swait.ge [sflag:s13], $0x6400  }
0x9d: {  	[sflag:s13] =	ssyncset.done $0x0  }
0x9e: {  	[sflag:s13] =	ssyncadd.s32 $0xFFFF9C00  }
0x9f: {  	[hbm4b:s30+s2] =	stream.linear.scatter [tilespmem:s10], [sflag:$0x4], $0x6400, $0x38;
	[tilespmem:$0xC800] =	vst v63  }
0xa0: {  	_ =	swait.ge [sflag:s7], $0x6400  }
0xa1: {  	[sflag:s7] =	ssyncset.done $0x0  }
0xa2: {  	[sflag:s7] =	ssyncadd.s32 $0xFFFF9C00  }
0xa3: {  	[tilespmem:s10], [sflag:$0x2] =	stream.linear.gather [hbm4b:s29+s2], $0x6400, $0x38;
	[tilespmem:$0xC800] =	vst v63  }
0xa4: {  	_ =	swait.ge [sflag:s8], $0x6400  }
0xa5: {  	[sflag:s8] =	ssyncset.done $0x0  }
0xa6: {  	[sflag:s8] =	ssyncadd.s32 $0xFFFF9C00  }
0xa7: {  	[hbm4b:s28+s2] =	stream.linear.scatter [tilespmem:s2], [sflag:$0x3], $0x6400, $0x38;
	[tilespmem:$0xC800] =	vst v63  }
0xa8: {  	_ =	swait.ge [sflag:s4], $0x6400  }
0xa9: {  	[sflag:s4] =	ssyncset.done $0x0  }
0xaa: {  	[sflag:s4] =	ssyncadd.s32 $0xFFFF9C00  }
0xab: {  	[tilespmem:s2], [sflag:$0x1] =	stream.linear.gather [hbm4b:s26+s2], $0x6400, $0x38;
	[tilespmem:$0xC800] =	vst v63  }
0xac: {  	_ =	swait.ge [sflag:s13], $0x6400  }
0xad: {  	[sflag:s13] =	ssyncset.done $0x0  }
0xae: {  	[sflag:s13] =	ssyncadd.s32 $0xFFFF9C00  }
0xaf: {  	[hbm4b:s25+s2] =	stream.linear.scatter [tilespmem:s10], [sflag:$0x4], $0x6400, $0x38;
	[tilespmem:$0xC800] =	vst v63  }
0xb0: {  	_ =	swait.ge [sflag:s7], $0x6400  }
0xb1: {  	[sflag:s7] =	ssyncset.done $0x0  }
0xb2: {  	[sflag:s7] =	ssyncadd.s32 $0xFFFF9C00  }
0xb3: {  	[tilespmem:s10], [sflag:$0x2] =	stream.linear.gather [hbm4b:s24+s2], $0x6400, $0x38;
	[tilespmem:$0xC800] =	vst v63  }
0xb4: {  	_ =	swait.ge [sflag:s8], $0x6400  }
0xb5: {  	[sflag:s8] =	ssyncset.done $0x0  }
0xb6: {  	[sflag:s8] =	ssyncadd.s32 $0xFFFF9C00  }
0xb7: {  	[hbm4b:s23+s2] =	stream.linear.scatter [tilespmem:s2], [sflag:$0x3], $0x6400, $0x38;
	[tilespmem:$0xC800] =	vst v63  }
0xb8: {  	_ =	swait.ge [sflag:s4], $0x6400  }
0xb9: {  	[sflag:s4] =	ssyncset.done $0x0  }
0xba: {  	[sflag:s4] =	ssyncadd.s32 $0xFFFF9C00  }
0xbb: {  	[tilespmem:s2], [sflag:$0x1] =	stream.linear.gather [hbm4b:s22+s2], $0x6400, $0x38;
	[tilespmem:$0xC800] =	vst v63  }
0xbc: {  	_ =	swait.ge [sflag:s13], $0x6400  }
0xbd: {  	[sflag:s13] =	ssyncset.done $0x0  }
0xbe: {  	[sflag:s13] =	ssyncadd.s32 $0xFFFF9C00  }
0xbf: {  	[hbm4b:s21+s2] =	stream.linear.scatter [tilespmem:s10], [sflag:$0x4], $0x6400, $0x38;
	[tilespmem:$0xC800] =	vst v63  }
0xc0: {  	_ =	swait.ge [sflag:s7], $0x6400  }
0xc1: {  	[sflag:s7] =	ssyncset.done $0x0  }
0xc2: {  	[sflag:s7] =	ssyncadd.s32 $0xFFFF9C00  }
0xc3: {  	[tilespmem:s10], [sflag:$0x2] =	stream.linear.gather [hbm4b:s20+s2], $0x6400, $0x38;
	[tilespmem:$0xC800] =	vst v63  }
0xc4: {  	_ =	swait.ge [sflag:s8], $0x6400  }
0xc5: {  	[sflag:s8] =	ssyncset.done $0x0  }
0xc6: {  	[sflag:s8] =	ssyncadd.s32 $0xFFFF9C00  }
0xc7: {  	[hbm4b:s19+s2] =	stream.linear.scatter [tilespmem:s2], [sflag:$0x3], $0x6400, $0x38;
	[tilespmem:$0xC800] =	vst v63  }
0xc8: {  	_ =	swait.ge [sflag:s4], $0x6400  }
0xc9: {  	[sflag:s4] =	ssyncset.done $0x0  }
0xca: {  	[sflag:s4] =	ssyncadd.s32 $0xFFFF9C00  }
0xcb: {  	[tilespmem:s2], [sflag:$0x1] =	stream.linear.gather [hbm4b:s18+s2], $0x6400, $0x38;
	[tilespmem:$0xC800] =	vst v63  }
0xcc: {  	_ =	swait.ge [sflag:s13], $0x6400  }
0xcd: {  	[sflag:s13] =	ssyncset.done $0x0  }
0xce: {  	[sflag:s13] =	ssyncadd.s32 $0xFFFF9C00  }
0xcf: {  	[hbm4b:s17+s2] =	stream.linear.scatter [tilespmem:s10], [sflag:$0x4], $0x6400, $0x38;
	[tilespmem:$0xC800] =	vst v63  }
0xd0: {  	_ =	swait.ge [sflag:s7], $0x6400  }
0xd1: {  	[sflag:s7] =	ssyncset.done $0x0  }
0xd2: {  	[sflag:s7] =	ssyncadd.s32 $0xFFFF9C00  }
0xd3: {  	[tilespmem:s10], [sflag:$0x2] =	stream.linear.gather [hbm4b:s16+s2], $0x6400, $0x38;
	[tilespmem:$0xC800] =	vst v63  }
0xd4: {  	_ =	swait.ge [sflag:s8], $0x6400  }
0xd5: {  	[sflag:s8] =	ssyncset.done $0x0  }
0xd6: {  	[sflag:s8] =	ssyncadd.s32 $0xFFFF9C00  }
0xd7: {  	[hbm4b:s14+s2] =	stream.linear.scatter [tilespmem:s2], [sflag:$0x3], $0x6400, $0x38;
	[tilespmem:$0xC800] =	vst v63  }
0xd8: {  	_ =	swait.ge [sflag:s4], $0x6400  }
0xd9: {  	[sflag:s4] =	ssyncset.done $0x0  }
0xda: {  	[sflag:s4] =	ssyncadd.s32 $0xFFFF9C00  }
0xdb: {  	[tilespmem:s2], [sflag:$0x1] =	stream.linear.gather [hbm4b:s15+s2], $0x6400, $0x38;
	[tilespmem:$0xC800] =	vst v63  }
0xdc: {  	_ =	swait.ge [sflag:s13], $0x6400  }
0xdd: {  	[sflag:s13] =	ssyncset.done $0x0  }
0xde: {  	[sflag:s13] =	ssyncadd.s32 $0xFFFF9C00  }
0xdf: {  	[hbm4b:s11+s2] =	stream.linear.scatter [tilespmem:s10], [sflag:$0x4], $0x6400, $0x38;
	[tilespmem:$0xC800] =	vst v63  }
0xe0: {  	_ =	swait.ge [sflag:s7], $0x6400  }
0xe1: {  	[sflag:s7] =	ssyncset.done $0x0  }
0xe2: {  	[sflag:s7] =	ssyncadd.s32 $0xFFFF9C00  }
0xe3: {  	[tilespmem:s10], [sflag:$0x2] =	stream.linear.gather [hbm4b:s12+s2], $0x6400, $0x38;
	[tilespmem:$0xC800] =	vst v63  }
0xe4: {  	_ =	swait.ge [sflag:s8], $0x6400  }
0xe5: {  	[sflag:s8] =	ssyncset.done $0x0  }
0xe6: {  	[sflag:s8] =	ssyncadd.s32 $0xFFFF9C00  }
0xe7: {  	[hbm4b:s9+s2] =	stream.linear.scatter [tilespmem:s2], [sflag:$0x3], $0x6400, $0x38;
	[tilespmem:$0xC800] =	vst v63  }
0xe8: {  	_ =	swait.ge [sflag:s4], $0x6400  }
0xe9: {  	[sflag:s4] =	ssyncset.done $0x0  }
0xea: {  	[sflag:s4] =	ssyncadd.s32 $0xFFFF9C00  }
0xeb: {  	[tilespmem:s2], [sflag:$0x1] =	stream.linear.gather [hbm4b:s6+s2], $0x6400, $0x38;
	[tilespmem:$0xC800] =	vst v63  }
0xec: {  	_ =	swait.ge [sflag:s13], $0x6400  }
0xed: {  	[sflag:s13] =	ssyncset.done $0x0  }
0xee: {  	[sflag:s13] =	ssyncadd.s32 $0xFFFF9C00  }
0xef: {  	[hbm4b:s5+s2] =	stream.linear.scatter [tilespmem:s10], [sflag:$0x4], $0x6400, $0x38;
	[tilespmem:$0xC800] =	vst v63  }
0xf0: {  	_ =	swait.ge [sflag:s8], $0x6400  }
0xf1: {  	[sflag:s8] =	ssyncset.done $0x0  }
0xf2: {  	[sflag:s8] =	ssyncadd.s32 $0xFFFF9C00  }
0xf3: {  	[hbm4b:s3+s2] =	stream.linear.scatter [tilespmem:s2], [sflag:$0x3], $0x6400, $0x38;
	[tilespmem:$0xC800] =	vst v63  }
0xf4: {  	_ =	swait.ge [sflag:s7], $0x6400  }
0xf5: {  	s1 =	rddreg [dreg:$0x1d]  }
0xf6: {  	p1 =	sne.s32 s1, $0x1  }
.Ltmp1:
0xf7: {  	_ = 	snop;
	(pc) =	sbr.rel @!p1 .LBB2_3-.Ltmp1, $4  }
0xf8: {  	[sflag:s7] =	ssyncset.done $0x0  }
0xf9: {  	[sflag:s7] =	ssyncadd.s32 $0xFFFF9C00  }
0xfa: {  	p0 =	por $0x1, $0x1;
	_ =	swait.ge [sflag:s4], $0x6400  }
0xfb: {  	s1 =	sadd.s32 $0xFFFFFFFF, s1;
	s0 =	rddreg [dreg:$0x2];
	[sflag:s4] =	ssyncset.done $0x0  }
.LBB2_2:
0xfc: {  	[sflag:s4] =	ssyncadd.s32 $0xFFFF9C00;
	s7 =	simm.s32 $0x6400  }
0xfd: {  	s10 =	smov.u32 s31;
	s31 =	smov.u32 s30;
	s30 =	smov.u32 s29  }
0xfe: {  	s29 =	smov.u32 s28;
	s28 =	smov.u32 s26;
	s26 =	smov.u32 s25  }
0xff: {  	s25 =	smov.u32 s24;
	s24 =	smov.u32 s23;
	s23 =	smov.u32 s22  }
0x100: {  	s22 =	smov.u32 s21;
	s21 =	smov.u32 s20;
	s20 =	smov.u32 s19  }
0x101: {  	s19 =	smov.u32 s18;
	s18 =	smov.u32 s17;
	s17 =	smov.u32 s16  }
0x102: {  	s16 =	smov.u32 s15;
	s15 =	smov.u32 s14;
	s14 =	smov.u32 s12  }
0x103: {  	s12 =	smov.u32 s11;
	s11 =	smov.u32 s9;
	s9 =	smov.u32 s6  }
0x104: {  	[tilespmem:s2], [sflag:$0x1] =	stream.linear.gather [hbm4b:s0+s2], $0x6400, $0x38;
	[tilespmem:$0xC800] =	vst v63  }
0x105: {  	s6 =	smov.u32 s5;
	s5 =	smov.u32 s3;
	s3 =	rddreg [dreg:$0x3]  }
0x106: {  	[tilespmem:s7], [sflag:$0x2] =	stream.linear.gather [hbm4b:s3+s2], $0x6400, $0x38;
	[tilespmem:$0xC800] =	vst v63  }
0x107: {  	s7 =	simm.s32 $0x4  }
0x108: {  	s3 =	smov.u32 s5;
	s5 =	smov.u32 s6;
	s6 =	smov.u32 s9  }
0x109: {  	s9 =	smov.u32 s11;
	s11 =	smov.u32 s12;
	s12 =	smov.u32 s14  }
0x10a: {  	s14 =	smov.u32 s15;
	s15 =	smov.u32 s16;
	s16 =	smov.u32 s17  }
0x10b: {  	s17 =	smov.u32 s18;
	s18 =	smov.u32 s19;
	_ =	swait.ge [sflag:s8], $0x6400  }
0x10c: {  	s19 =	smov.u32 s20;
	s20 =	smov.u32 s21;
	[sflag:s8] =	ssyncset.done $0x0  }
0x10d: {  	s21 =	smov.u32 s22;
	s0 =	rddreg [dreg:$0x4];
	[sflag:s8] =	ssyncadd.s32 $0xFFFF9C00  }
0x10e: {  	[hbm4b:s0+s2] =	stream.linear.scatter [tilespmem:s2], [sflag:$0x3], $0x6400, $0x38;
	[tilespmem:$0xC800] =	vst v63  }
0x10f: {  	s22 =	smov.u32 s23;
	s23 =	smov.u32 s24;
	_ =	swait.ge [sflag:s4], $0x6400  }
0x110: {  	s24 =	smov.u32 s25;
	s25 =	smov.u32 s26;
	[sflag:s4] =	ssyncset.done $0x0  }
0x111: {  	s26 =	smov.u32 s28;
	s0 =	rddreg [dreg:$0x5];
	[sflag:s4] =	ssyncadd.s32 $0xFFFF9C00  }
0x112: {  	[tilespmem:s2], [sflag:$0x1] =	stream.linear.gather [hbm4b:s0+s2], $0x6400, $0x38;
	[tilespmem:$0xC800] =	vst v63  }
0x113: {  	s28 =	smov.u32 s29;
	s29 =	smov.u32 s30;
	_ =	swait.ge [sflag:s13], $0x6400  }
0x114: {  	s30 =	smov.u32 s31;
	s31 =	smov.u32 s10;
	[sflag:s13] =	ssyncset.done $0x0  }
0x115: {  	s10 =	simm.s32 $0x6400;
	s0 =	rddreg [dreg:$0x6];
	[sflag:s13] =	ssyncadd.s32 $0xFFFF9C00  }
0x116: {  	[hbm4b:s0+s2] =	stream.linear.scatter [tilespmem:s10], [sflag:$0x4], $0x6400, $0x38;
	[tilespmem:$0xC800] =	vst v63  }
0x117: {  	_ =	swait.ge [sflag:s7], $0x6400  }
0x118: {  	[sflag:s7] =	ssyncset.done $0x0  }
0x119: {  	s0 =	rddreg [dreg:$0x7];
	[sflag:s7] =	ssyncadd.s32 $0xFFFF9C00  }
0x11a: {  	[tilespmem:s10], [sflag:$0x2] =	stream.linear.gather [hbm4b:s0+s2], $0x6400, $0x38;
	[tilespmem:$0xC800] =	vst v63  }
0x11b: {  	_ =	swait.ge [sflag:s8], $0x6400  }
0x11c: {  	[sflag:s8] =	ssyncset.done $0x0  }
0x11d: {  	s0 =	rddreg [dreg:$0x8];
	[sflag:s8] =	ssyncadd.s32 $0xFFFF9C00  }
0x11e: {  	[hbm4b:s0+s2] =	stream.linear.scatter [tilespmem:s2], [sflag:$0x3], $0x6400, $0x38;
	[tilespmem:$0xC800] =	vst v63  }
0x11f: {  	_ =	swait.ge [sflag:s4], $0x6400  }
0x120: {  	[sflag:s4] =	ssyncset.done $0x0  }
0x121: {  	s0 =	rddreg [dreg:$0x9];
	[sflag:s4] =	ssyncadd.s32 $0xFFFF9C00  }
0x122: {  	[tilespmem:s2], [sflag:$0x1] =	stream.linear.gather [hbm4b:s0+s2], $0x6400, $0x38;
	[tilespmem:$0xC800] =	vst v63  }
0x123: {  	_ =	swait.ge [sflag:s13], $0x6400  }
0x124: {  	[sflag:s13] =	ssyncset.done $0x0  }
0x125: {  	s0 =	rddreg [dreg:$0xa];
	[sflag:s13] =	ssyncadd.s32 $0xFFFF9C00  }
0x126: {  	[hbm4b:s0+s2] =	stream.linear.scatter [tilespmem:s10], [sflag:$0x4], $0x6400, $0x38;
	[tilespmem:$0xC800] =	vst v63  }
0x127: {  	_ =	swait.ge [sflag:s7], $0x6400  }
0x128: {  	[sflag:s7] =	ssyncset.done $0x0  }
0x129: {  	s0 =	rddreg [dreg:$0xb];
	[sflag:s7] =	ssyncadd.s32 $0xFFFF9C00  }
0x12a: {  	[tilespmem:s10], [sflag:$0x2] =	stream.linear.gather [hbm4b:s0+s2], $0x6400, $0x38;
	[tilespmem:$0xC800] =	vst v63  }
0x12b: {  	_ =	swait.ge [sflag:s8], $0x6400  }
0x12c: {  	[sflag:s8] =	ssyncset.done $0x0  }
0x12d: {  	s0 =	rddreg [dreg:$0xc];
	[sflag:s8] =	ssyncadd.s32 $0xFFFF9C00  }
0x12e: {  	[hbm4b:s0+s2] =	stream.linear.scatter [tilespmem:s2], [sflag:$0x3], $0x6400, $0x38;
	[tilespmem:$0xC800] =	vst v63  }
0x12f: {  	_ =	swait.ge [sflag:s4], $0x6400  }
0x130: {  	[sflag:s4] =	ssyncset.done $0x0  }
0x131: {  	s0 =	rddreg [dreg:$0xd];
	[sflag:s4] =	ssyncadd.s32 $0xFFFF9C00  }
0x132: {  	[tilespmem:s2], [sflag:$0x1] =	stream.linear.gather [hbm4b:s0+s2], $0x6400, $0x38;
	[tilespmem:$0xC800] =	vst v63  }
0x133: {  	_ =	swait.ge [sflag:s13], $0x6400  }
0x134: {  	[sflag:s13] =	ssyncset.done $0x0  }
0x135: {  	s0 =	rddreg [dreg:$0xe];
	[sflag:s13] =	ssyncadd.s32 $0xFFFF9C00  }
0x136: {  	[hbm4b:s0+s2] =	stream.linear.scatter [tilespmem:s10], [sflag:$0x4], $0x6400, $0x38;
	[tilespmem:$0xC800] =	vst v63  }
0x137: {  	_ =	swait.ge [sflag:s7], $0x6400  }
0x138: {  	[sflag:s7] =	ssyncset.done $0x0  }
0x139: {  	s0 =	rddreg [dreg:$0xf];
	[sflag:s7] =	ssyncadd.s32 $0xFFFF9C00  }
0x13a: {  	[tilespmem:s10], [sflag:$0x2] =	stream.linear.gather [hbm4b:s0+s2], $0x6400, $0x38;
	[tilespmem:$0xC800] =	vst v63  }
0x13b: {  	_ =	swait.ge [sflag:s8], $0x6400  }
0x13c: {  	[sflag:s8] =	ssyncset.done $0x0  }
0x13d: {  	s0 =	rddreg [dreg:$0x10];
	[sflag:s8] =	ssyncadd.s32 $0xFFFF9C00  }
0x13e: {  	[hbm4b:s0+s2] =	stream.linear.scatter [tilespmem:s2], [sflag:$0x3], $0x6400, $0x38;
	[tilespmem:$0xC800] =	vst v63  }
0x13f: {  	_ =	swait.ge [sflag:s4], $0x6400  }
0x140: {  	[sflag:s4] =	ssyncset.done $0x0  }
0x141: {  	s0 =	rddreg [dreg:$0x11];
	[sflag:s4] =	ssyncadd.s32 $0xFFFF9C00  }
0x142: {  	[tilespmem:s2], [sflag:$0x1] =	stream.linear.gather [hbm4b:s0+s2], $0x6400, $0x38;
	[tilespmem:$0xC800] =	vst v63  }
0x143: {  	_ =	swait.ge [sflag:s13], $0x6400  }
0x144: {  	[sflag:s13] =	ssyncset.done $0x0  }
0x145: {  	s0 =	rddreg [dreg:$0x12];
	[sflag:s13] =	ssyncadd.s32 $0xFFFF9C00  }
0x146: {  	[hbm4b:s0+s2] =	stream.linear.scatter [tilespmem:s10], [sflag:$0x4], $0x6400, $0x38;
	[tilespmem:$0xC800] =	vst v63  }
0x147: {  	_ =	swait.ge [sflag:s7], $0x6400  }
0x148: {  	[sflag:s7] =	ssyncset.done $0x0  }
0x149: {  	s0 =	rddreg [dreg:$0x13];
	[sflag:s7] =	ssyncadd.s32 $0xFFFF9C00  }
0x14a: {  	[tilespmem:s10], [sflag:$0x2] =	stream.linear.gather [hbm4b:s0+s2], $0x6400, $0x38;
	[tilespmem:$0xC800] =	vst v63  }
0x14b: {  	_ =	swait.ge [sflag:s8], $0x6400  }
0x14c: {  	[sflag:s8] =	ssyncset.done $0x0  }
0x14d: {  	s0 =	rddreg [dreg:$0x14];
	[sflag:s8] =	ssyncadd.s32 $0xFFFF9C00  }
0x14e: {  	[hbm4b:s0+s2] =	stream.linear.scatter [tilespmem:s2], [sflag:$0x3], $0x6400, $0x38;
	[tilespmem:$0xC800] =	vst v63  }
0x14f: {  	_ =	swait.ge [sflag:s4], $0x6400  }
0x150: {  	[sflag:s4] =	ssyncset.done $0x0  }
0x151: {  	s0 =	rddreg [dreg:$0x15];
	[sflag:s4] =	ssyncadd.s32 $0xFFFF9C00  }
0x152: {  	[tilespmem:s2], [sflag:$0x1] =	stream.linear.gather [hbm4b:s0+s2], $0x6400, $0x38;
	[tilespmem:$0xC800] =	vst v63  }
0x153: {  	_ =	swait.ge [sflag:s13], $0x6400  }
0x154: {  	[sflag:s13] =	ssyncset.done $0x0  }
0x155: {  	s0 =	rddreg [dreg:$0x16];
	[sflag:s13] =	ssyncadd.s32 $0xFFFF9C00  }
0x156: {  	[hbm4b:s0+s2] =	stream.linear.scatter [tilespmem:s10], [sflag:$0x4], $0x6400, $0x38;
	[tilespmem:$0xC800] =	vst v63  }
0x157: {  	_ =	swait.ge [sflag:s7], $0x6400  }
0x158: {  	[sflag:s7] =	ssyncset.done $0x0  }
0x159: {  	s0 =	rddreg [dreg:$0x17];
	[sflag:s7] =	ssyncadd.s32 $0xFFFF9C00  }
0x15a: {  	[tilespmem:s10], [sflag:$0x2] =	stream.linear.gather [hbm4b:s0+s2], $0x6400, $0x38;
	[tilespmem:$0xC800] =	vst v63  }
0x15b: {  	_ =	swait.ge [sflag:s8], $0x6400  }
0x15c: {  	[sflag:s8] =	ssyncset.done $0x0  }
0x15d: {  	s0 =	rddreg [dreg:$0x18];
	[sflag:s8] =	ssyncadd.s32 $0xFFFF9C00  }
0x15e: {  	[hbm4b:s0+s2] =	stream.linear.scatter [tilespmem:s2], [sflag:$0x3], $0x6400, $0x38;
	[tilespmem:$0xC800] =	vst v63  }
0x15f: {  	_ =	swait.ge [sflag:s4], $0x6400  }
0x160: {  	[sflag:s4] =	ssyncset.done $0x0  }
0x161: {  	s0 =	rddreg [dreg:$0x19];
	[sflag:s4] =	ssyncadd.s32 $0xFFFF9C00  }
0x162: {  	[tilespmem:s2], [sflag:$0x1] =	stream.linear.gather [hbm4b:s0+s2], $0x6400, $0x38;
	[tilespmem:$0xC800] =	vst v63  }
0x163: {  	_ =	swait.ge [sflag:s13], $0x6400  }
0x164: {  	[sflag:s13] =	ssyncset.done $0x0  }
0x165: {  	s0 =	rddreg [dreg:$0x1a];
	[sflag:s13] =	ssyncadd.s32 $0xFFFF9C00  }
0x166: {  	[hbm4b:s0+s2] =	stream.linear.scatter [tilespmem:s10], [sflag:$0x4], $0x6400, $0x38;
	[tilespmem:$0xC800] =	vst v63  }
0x167: {  	_ =	swait.ge [sflag:s7], $0x6400  }
0x168: {  	[sflag:s7] =	ssyncset.done $0x0  }
0x169: {  	s0 =	rddreg [dreg:$0x1b];
	[sflag:s7] =	ssyncadd.s32 $0xFFFF9C00  }
0x16a: {  	[tilespmem:s10], [sflag:$0x2] =	stream.linear.gather [hbm4b:s0+s2], $0x6400, $0x38;
	[tilespmem:$0xC800] =	vst v63  }
0x16b: {  	_ =	swait.ge [sflag:s8], $0x6400  }
0x16c: {  	[sflag:s8] =	ssyncset.done $0x0  }
0x16d: {  	s0 =	rddreg [dreg:$0x1c];
	[sflag:s8] =	ssyncadd.s32 $0xFFFF9C00  }
0x16e: {  	[hbm4b:s0+s2] =	stream.linear.scatter [tilespmem:s2], [sflag:$0x3], $0x6400, $0x38;
	[tilespmem:$0xC800] =	vst v63  }
0x16f: {  	_ =	swait.ge [sflag:s4], $0x6400  }
0x170: {  	[sflag:s4] =	ssyncset.done $0x0  }
0x171: {  	[sflag:s4] =	ssyncadd.s32 $0xFFFF9C00  }
0x172: {  	[tilespmem:s2], [sflag:$0x1] =	stream.linear.gather [hbm4b:s31+s2], $0x6400, $0x38;
	[tilespmem:$0xC800] =	vst v63  }
0x173: {  	_ =	swait.ge [sflag:s13], $0x6400  }
0x174: {  	[sflag:s13] =	ssyncset.done $0x0  }
0x175: {  	[sflag:s13] =	ssyncadd.s32 $0xFFFF9C00  }
0x176: {  	[hbm4b:s30+s2] =	stream.linear.scatter [tilespmem:s10], [sflag:$0x4], $0x6400, $0x38;
	[tilespmem:$0xC800] =	vst v63  }
0x177: {  	_ =	swait.ge [sflag:s7], $0x6400  }
0x178: {  	[sflag:s7] =	ssyncset.done $0x0  }
0x179: {  	[sflag:s7] =	ssyncadd.s32 $0xFFFF9C00  }
0x17a: {  	[tilespmem:s10], [sflag:$0x2] =	stream.linear.gather [hbm4b:s29+s2], $0x6400, $0x38;
	[tilespmem:$0xC800] =	vst v63  }
0x17b: {  	_ =	swait.ge [sflag:s8], $0x6400  }
0x17c: {  	[sflag:s8] =	ssyncset.done $0x0  }
0x17d: {  	[sflag:s8] =	ssyncadd.s32 $0xFFFF9C00  }
0x17e: {  	[hbm4b:s28+s2] =	stream.linear.scatter [tilespmem:s2], [sflag:$0x3], $0x6400, $0x38;
	[tilespmem:$0xC800] =	vst v63  }
0x17f: {  	_ =	swait.ge [sflag:s4], $0x6400  }
0x180: {  	[sflag:s4] =	ssyncset.done $0x0  }
0x181: {  	[sflag:s4] =	ssyncadd.s32 $0xFFFF9C00  }
0x182: {  	[tilespmem:s2], [sflag:$0x1] =	stream.linear.gather [hbm4b:s26+s2], $0x6400, $0x38;
	[tilespmem:$0xC800] =	vst v63  }
0x183: {  	_ =	swait.ge [sflag:s13], $0x6400  }
0x184: {  	[sflag:s13] =	ssyncset.done $0x0  }
0x185: {  	[sflag:s13] =	ssyncadd.s32 $0xFFFF9C00  }
0x186: {  	[hbm4b:s25+s2] =	stream.linear.scatter [tilespmem:s10], [sflag:$0x4], $0x6400, $0x38;
	[tilespmem:$0xC800] =	vst v63  }
0x187: {  	_ =	swait.ge [sflag:s7], $0x6400  }
0x188: {  	[sflag:s7] =	ssyncset.done $0x0  }
0x189: {  	[sflag:s7] =	ssyncadd.s32 $0xFFFF9C00  }
0x18a: {  	[tilespmem:s10], [sflag:$0x2] =	stream.linear.gather [hbm4b:s24+s2], $0x6400, $0x38;
	[tilespmem:$0xC800] =	vst v63  }
0x18b: {  	_ =	swait.ge [sflag:s8], $0x6400  }
0x18c: {  	[sflag:s8] =	ssyncset.done $0x0  }
0x18d: {  	[sflag:s8] =	ssyncadd.s32 $0xFFFF9C00  }
0x18e: {  	[hbm4b:s23+s2] =	stream.linear.scatter [tilespmem:s2], [sflag:$0x3], $0x6400, $0x38;
	[tilespmem:$0xC800] =	vst v63  }
0x18f: {  	_ =	swait.ge [sflag:s4], $0x6400  }
0x190: {  	[sflag:s4] =	ssyncset.done $0x0  }
0x191: {  	[sflag:s4] =	ssyncadd.s32 $0xFFFF9C00  }
0x192: {  	[tilespmem:s2], [sflag:$0x1] =	stream.linear.gather [hbm4b:s22+s2], $0x6400, $0x38;
	[tilespmem:$0xC800] =	vst v63  }
0x193: {  	_ =	swait.ge [sflag:s13], $0x6400  }
0x194: {  	[sflag:s13] =	ssyncset.done $0x0  }
0x195: {  	[sflag:s13] =	ssyncadd.s32 $0xFFFF9C00  }
0x196: {  	[hbm4b:s21+s2] =	stream.linear.scatter [tilespmem:s10], [sflag:$0x4], $0x6400, $0x38;
	[tilespmem:$0xC800] =	vst v63  }
0x197: {  	_ =	swait.ge [sflag:s7], $0x6400  }
0x198: {  	[sflag:s7] =	ssyncset.done $0x0  }
0x199: {  	[sflag:s7] =	ssyncadd.s32 $0xFFFF9C00  }
0x19a: {  	[tilespmem:s10], [sflag:$0x2] =	stream.linear.gather [hbm4b:s20+s2], $0x6400, $0x38;
	[tilespmem:$0xC800] =	vst v63  }
0x19b: {  	_ =	swait.ge [sflag:s8], $0x6400  }
0x19c: {  	[sflag:s8] =	ssyncset.done $0x0  }
0x19d: {  	[sflag:s8] =	ssyncadd.s32 $0xFFFF9C00  }
0x19e: {  	[hbm4b:s19+s2] =	stream.linear.scatter [tilespmem:s2], [sflag:$0x3], $0x6400, $0x38;
	[tilespmem:$0xC800] =	vst v63  }
0x19f: {  	_ =	swait.ge [sflag:s4], $0x6400  }
0x1a0: {  	[sflag:s4] =	ssyncset.done $0x0  }
0x1a1: {  	[sflag:s4] =	ssyncadd.s32 $0xFFFF9C00  }
0x1a2: {  	[tilespmem:s2], [sflag:$0x1] =	stream.linear.gather [hbm4b:s18+s2], $0x6400, $0x38;
	[tilespmem:$0xC800] =	vst v63  }
0x1a3: {  	_ =	swait.ge [sflag:s13], $0x6400  }
0x1a4: {  	[sflag:s13] =	ssyncset.done $0x0  }
0x1a5: {  	[sflag:s13] =	ssyncadd.s32 $0xFFFF9C00  }
0x1a6: {  	[hbm4b:s17+s2] =	stream.linear.scatter [tilespmem:s10], [sflag:$0x4], $0x6400, $0x38;
	[tilespmem:$0xC800] =	vst v63  }
0x1a7: {  	_ =	swait.ge [sflag:s7], $0x6400  }
0x1a8: {  	[sflag:s7] =	ssyncset.done $0x0  }
0x1a9: {  	[sflag:s7] =	ssyncadd.s32 $0xFFFF9C00  }
0x1aa: {  	[tilespmem:s10], [sflag:$0x2] =	stream.linear.gather [hbm4b:s16+s2], $0x6400, $0x38;
	[tilespmem:$0xC800] =	vst v63  }
0x1ab: {  	_ =	swait.ge [sflag:s8], $0x6400  }
0x1ac: {  	[sflag:s8] =	ssyncset.done $0x0  }
0x1ad: {  	[sflag:s8] =	ssyncadd.s32 $0xFFFF9C00  }
0x1ae: {  	[hbm4b:s14+s2] =	stream.linear.scatter [tilespmem:s2], [sflag:$0x3], $0x6400, $0x38;
	[tilespmem:$0xC800] =	vst v63  }
0x1af: {  	_ =	swait.ge [sflag:s4], $0x6400  }
0x1b0: {  	[sflag:s4] =	ssyncset.done $0x0  }
0x1b1: {  	[sflag:s4] =	ssyncadd.s32 $0xFFFF9C00  }
0x1b2: {  	[tilespmem:s2], [sflag:$0x1] =	stream.linear.gather [hbm4b:s15+s2], $0x6400, $0x38;
	[tilespmem:$0xC800] =	vst v63  }
0x1b3: {  	_ =	swait.ge [sflag:s13], $0x6400  }
0x1b4: {  	[sflag:s13] =	ssyncset.done $0x0  }
0x1b5: {  	[sflag:s13] =	ssyncadd.s32 $0xFFFF9C00  }
0x1b6: {  	[hbm4b:s11+s2] =	stream.linear.scatter [tilespmem:s10], [sflag:$0x4], $0x6400, $0x38;
	[tilespmem:$0xC800] =	vst v63  }
0x1b7: {  	_ =	swait.ge [sflag:s7], $0x6400  }
0x1b8: {  	[sflag:s7] =	ssyncset.done $0x0  }
0x1b9: {  	[sflag:s7] =	ssyncadd.s32 $0xFFFF9C00  }
0x1ba: {  	[tilespmem:s10], [sflag:$0x2] =	stream.linear.gather [hbm4b:s12+s2], $0x6400, $0x38;
	[tilespmem:$0xC800] =	vst v63  }
0x1bb: {  	_ =	swait.ge [sflag:s8], $0x6400  }
0x1bc: {  	[sflag:s8] =	ssyncset.done $0x0  }
0x1bd: {  	[sflag:s8] =	ssyncadd.s32 $0xFFFF9C00  }
0x1be: {  	[hbm4b:s9+s2] =	stream.linear.scatter [tilespmem:s2], [sflag:$0x3], $0x6400, $0x38;
	[tilespmem:$0xC800] =	vst v63  }
0x1bf: {  	_ =	swait.ge [sflag:s4], $0x6400  }
0x1c0: {  	[sflag:s4] =	ssyncset.done $0x0  }
0x1c1: {  	[sflag:s4] =	ssyncadd.s32 $0xFFFF9C00  }
0x1c2: {  	[tilespmem:s2], [sflag:$0x1] =	stream.linear.gather [hbm4b:s6+s2], $0x6400, $0x38;
	[tilespmem:$0xC800] =	vst v63  }
0x1c3: {  	_ =	swait.ge [sflag:s13], $0x6400  }
0x1c4: {  	[sflag:s13] =	ssyncset.done $0x0  }
0x1c5: {  	[sflag:s13] =	ssyncadd.s32 $0xFFFF9C00  }
0x1c6: {  	[hbm4b:s5+s2] =	stream.linear.scatter [tilespmem:s10], [sflag:$0x4], $0x6400, $0x38;
	[tilespmem:$0xC800] =	vst v63  }
0x1c7: {  	_ =	swait.ge [sflag:s8], $0x6400  }
0x1c8: {  	[sflag:s8] =	ssyncset.done $0x0  }
0x1c9: {  	p1 =	sne.s32 s1, $0x1;
	[sflag:s8] =	ssyncadd.s32 $0xFFFF9C00  }
0x1ca: {  	[hbm4b:s3+s2] =	stream.linear.scatter [tilespmem:s2], [sflag:$0x3], $0x6400, $0x38;
	[tilespmem:$0xC800] =	vst v63  }
.Ltmp2:
0x1cb: {  	_ =	swait.ge [sflag:s7], $0x6400;
	(pc) =	sbr.rel @p1 .LBB2_2-.Ltmp2, $4  }
0x1cc: {  	[sflag:s7] =	ssyncset.done $0x0  }
0x1cd: {  	[sflag:s7] =	ssyncadd.s32 $0xFFFF9C00  }
0x1ce: {  	_ =	swait.ge [sflag:s4], $0x6400  }
0x1cf: {  	s1 =	sadd.s32 $0xFFFFFFFF, s1;
	s0 =	rddreg [dreg:$0x2];
	[sflag:s4] =	ssyncset.done $0x0  }
.LBB2_3:
0x1d0: {  	[sflag:s4] =	ssyncadd.s32 @p0 $0xFFFF9C00  }
0x1d1: {  	[tilespmem:s2], [sflag:$0x1] =	stream.linear.gather [hbm4b:s0+s2], $0x6400, $0x38;
	[tilespmem:$0xC800] =	vst v63  }
0x1d2: {  	s1 =	rddreg [dreg:$0x3]  }
0x1d3: {  	[tilespmem:s10], [sflag:$0x2] =	stream.linear.gather [hbm4b:s1+s2], $0x6400, $0x38;
	[tilespmem:$0xC800] =	vst v63  }
0x1d4: {  	_ =	swait.ge [sflag:s8], $0x6400  }
0x1d5: {  	[sflag:s8] =	ssyncset.done $0x0  }
0x1d6: {  	s1 =	rddreg [dreg:$0x4];
	[sflag:s8] =	ssyncadd.s32 $0xFFFF9C00  }
0x1d7: {  	[hbm4b:s1+s2] =	stream.linear.scatter [tilespmem:s2], [sflag:$0x3], $0x6400, $0x38;
	[tilespmem:$0xC800] =	vst v63  }
0x1d8: {  	_ =	swait.ge [sflag:s4], $0x6400  }
0x1d9: {  	[sflag:s4] =	ssyncset.done $0x0  }
0x1da: {  	s1 =	rddreg [dreg:$0x5];
	[sflag:s4] =	ssyncadd.s32 $0xFFFF9C00  }
0x1db: {  	[tilespmem:s2], [sflag:$0x1] =	stream.linear.gather [hbm4b:s1+s2], $0x6400, $0x38;
	[tilespmem:$0xC800] =	vst v63  }
0x1dc: {  	_ =	swait.ge [sflag:s13], $0x6400  }
0x1dd: {  	[sflag:s13] =	ssyncset.done $0x0  }
0x1de: {  	s1 =	rddreg [dreg:$0x6];
	[sflag:s13] =	ssyncadd.s32 $0xFFFF9C00  }
0x1df: {  	[hbm4b:s1+s2] =	stream.linear.scatter [tilespmem:s10], [sflag:$0x4], $0x6400, $0x38;
	[tilespmem:$0xC800] =	vst v63  }
0x1e0: {  	_ =	swait.ge [sflag:s7], $0x6400  }
0x1e1: {  	[sflag:s7] =	ssyncset.done $0x0  }
0x1e2: {  	s1 =	rddreg [dreg:$0x7];
	[sflag:s7] =	ssyncadd.s32 $0xFFFF9C00  }
0x1e3: {  	[tilespmem:s10], [sflag:$0x2] =	stream.linear.gather [hbm4b:s1+s2], $0x6400, $0x38;
	[tilespmem:$0xC800] =	vst v63  }
0x1e4: {  	_ =	swait.ge [sflag:s8], $0x6400  }
0x1e5: {  	[sflag:s8] =	ssyncset.done $0x0  }
0x1e6: {  	s1 =	rddreg [dreg:$0x8];
	[sflag:s8] =	ssyncadd.s32 $0xFFFF9C00  }
0x1e7: {  	[hbm4b:s1+s2] =	stream.linear.scatter [tilespmem:s2], [sflag:$0x3], $0x6400, $0x38;
	[tilespmem:$0xC800] =	vst v63  }
0x1e8: {  	_ =	swait.ge [sflag:s4], $0x6400  }
0x1e9: {  	[sflag:s4] =	ssyncset.done $0x0  }
0x1ea: {  	s1 =	rddreg [dreg:$0x9];
	[sflag:s4] =	ssyncadd.s32 $0xFFFF9C00  }
0x1eb: {  	[tilespmem:s2], [sflag:$0x1] =	stream.linear.gather [hbm4b:s1+s2], $0x6400, $0x38;
	[tilespmem:$0xC800] =	vst v63  }
0x1ec: {  	_ =	swait.ge [sflag:s13], $0x6400  }
0x1ed: {  	[sflag:s13] =	ssyncset.done $0x0  }
0x1ee: {  	s1 =	rddreg [dreg:$0xa];
	[sflag:s13] =	ssyncadd.s32 $0xFFFF9C00  }
0x1ef: {  	[hbm4b:s1+s2] =	stream.linear.scatter [tilespmem:s10], [sflag:$0x4], $0x6400, $0x38;
	[tilespmem:$0xC800] =	vst v63  }
0x1f0: {  	_ =	swait.ge [sflag:s7], $0x6400  }
0x1f1: {  	[sflag:s7] =	ssyncset.done $0x0  }
0x1f2: {  	s1 =	rddreg [dreg:$0xb];
	[sflag:s7] =	ssyncadd.s32 $0xFFFF9C00  }
0x1f3: {  	[tilespmem:s10], [sflag:$0x2] =	stream.linear.gather [hbm4b:s1+s2], $0x6400, $0x38;
	[tilespmem:$0xC800] =	vst v63  }
0x1f4: {  	_ =	swait.ge [sflag:s8], $0x6400  }
0x1f5: {  	[sflag:s8] =	ssyncset.done $0x0  }
0x1f6: {  	s1 =	rddreg [dreg:$0xc];
	[sflag:s8] =	ssyncadd.s32 $0xFFFF9C00  }
0x1f7: {  	[hbm4b:s1+s2] =	stream.linear.scatter [tilespmem:s2], [sflag:$0x3], $0x6400, $0x38;
	[tilespmem:$0xC800] =	vst v63  }
0x1f8: {  	_ =	swait.ge [sflag:s4], $0x6400  }
0x1f9: {  	[sflag:s4] =	ssyncset.done $0x0  }
0x1fa: {  	s1 =	rddreg [dreg:$0xd];
	[sflag:s4] =	ssyncadd.s32 $0xFFFF9C00  }
0x1fb: {  	[tilespmem:s2], [sflag:$0x1] =	stream.linear.gather [hbm4b:s1+s2], $0x6400, $0x38;
	[tilespmem:$0xC800] =	vst v63  }
0x1fc: {  	_ =	swait.ge [sflag:s13], $0x6400  }
0x1fd: {  	[sflag:s13] =	ssyncset.done $0x0  }
0x1fe: {  	s1 =	rddreg [dreg:$0xe];
	[sflag:s13] =	ssyncadd.s32 $0xFFFF9C00  }
0x1ff: {  	[hbm4b:s1+s2] =	stream.linear.scatter [tilespmem:s10], [sflag:$0x4], $0x6400, $0x38;
	[tilespmem:$0xC800] =	vst v63  }
0x200: {  	_ =	swait.ge [sflag:s7], $0x6400  }
0x201: {  	[sflag:s7] =	ssyncset.done $0x0  }
0x202: {  	s1 =	rddreg [dreg:$0xf];
	[sflag:s7] =	ssyncadd.s32 $0xFFFF9C00  }
0x203: {  	[tilespmem:s10], [sflag:$0x2] =	stream.linear.gather [hbm4b:s1+s2], $0x6400, $0x38;
	[tilespmem:$0xC800] =	vst v63  }
0x204: {  	_ =	swait.ge [sflag:s8], $0x6400  }
0x205: {  	[sflag:s8] =	ssyncset.done $0x0  }
0x206: {  	s1 =	rddreg [dreg:$0x10];
	[sflag:s8] =	ssyncadd.s32 $0xFFFF9C00  }
0x207: {  	[hbm4b:s1+s2] =	stream.linear.scatter [tilespmem:s2], [sflag:$0x3], $0x6400, $0x38;
	[tilespmem:$0xC800] =	vst v63  }
0x208: {  	_ =	swait.ge [sflag:s4], $0x6400  }
0x209: {  	[sflag:s4] =	ssyncset.done $0x0  }
0x20a: {  	s1 =	rddreg [dreg:$0x11];
	[sflag:s4] =	ssyncadd.s32 $0xFFFF9C00  }
0x20b: {  	[tilespmem:s2], [sflag:$0x1] =	stream.linear.gather [hbm4b:s1+s2], $0x6400, $0x38;
	[tilespmem:$0xC800] =	vst v63  }
0x20c: {  	_ =	swait.ge [sflag:s13], $0x6400  }
0x20d: {  	[sflag:s13] =	ssyncset.done $0x0  }
0x20e: {  	s1 =	rddreg [dreg:$0x12];
	[sflag:s13] =	ssyncadd.s32 $0xFFFF9C00  }
0x20f: {  	[hbm4b:s1+s2] =	stream.linear.scatter [tilespmem:s10], [sflag:$0x4], $0x6400, $0x38;
	[tilespmem:$0xC800] =	vst v63  }
0x210: {  	_ =	swait.ge [sflag:s7], $0x6400  }
0x211: {  	[sflag:s7] =	ssyncset.done $0x0  }
0x212: {  	s1 =	rddreg [dreg:$0x13];
	[sflag:s7] =	ssyncadd.s32 $0xFFFF9C00  }
0x213: {  	[tilespmem:s10], [sflag:$0x2] =	stream.linear.gather [hbm4b:s1+s2], $0x6400, $0x38;
	[tilespmem:$0xC800] =	vst v63  }
0x214: {  	_ =	swait.ge [sflag:s8], $0x6400  }
0x215: {  	[sflag:s8] =	ssyncset.done $0x0  }
0x216: {  	s1 =	rddreg [dreg:$0x14];
	[sflag:s8] =	ssyncadd.s32 $0xFFFF9C00  }
0x217: {  	[hbm4b:s1+s2] =	stream.linear.scatter [tilespmem:s2], [sflag:$0x3], $0x6400, $0x38;
	[tilespmem:$0xC800] =	vst v63  }
0x218: {  	_ =	swait.ge [sflag:s4], $0x6400  }
0x219: {  	[sflag:s4] =	ssyncset.done $0x0  }
0x21a: {  	s1 =	rddreg [dreg:$0x15];
	[sflag:s4] =	ssyncadd.s32 $0xFFFF9C00  }
0x21b: {  	[tilespmem:s2], [sflag:$0x1] =	stream.linear.gather [hbm4b:s1+s2], $0x6400, $0x38;
	[tilespmem:$0xC800] =	vst v63  }
0x21c: {  	_ =	swait.ge [sflag:s13], $0x6400  }
0x21d: {  	[sflag:s13] =	ssyncset.done $0x0  }
0x21e: {  	s1 =	rddreg [dreg:$0x16];
	[sflag:s13] =	ssyncadd.s32 $0xFFFF9C00  }
0x21f: {  	[hbm4b:s1+s2] =	stream.linear.scatter [tilespmem:s10], [sflag:$0x4], $0x6400, $0x38;
	[tilespmem:$0xC800] =	vst v63  }
0x220: {  	_ =	swait.ge [sflag:s7], $0x6400  }
0x221: {  	[sflag:s7] =	ssyncset.done $0x0  }
0x222: {  	s1 =	rddreg [dreg:$0x17];
	[sflag:s7] =	ssyncadd.s32 $0xFFFF9C00  }
0x223: {  	[tilespmem:s10], [sflag:$0x2] =	stream.linear.gather [hbm4b:s1+s2], $0x6400, $0x38;
	[tilespmem:$0xC800] =	vst v63  }
0x224: {  	_ =	swait.ge [sflag:s8], $0x6400  }
0x225: {  	[sflag:s8] =	ssyncset.done $0x0  }
0x226: {  	s1 =	rddreg [dreg:$0x18];
	[sflag:s8] =	ssyncadd.s32 $0xFFFF9C00  }
0x227: {  	[hbm4b:s1+s2] =	stream.linear.scatter [tilespmem:s2], [sflag:$0x3], $0x6400, $0x38;
	[tilespmem:$0xC800] =	vst v63  }
0x228: {  	_ =	swait.ge [sflag:s4], $0x6400  }
0x229: {  	[sflag:s4] =	ssyncset.done $0x0  }
0x22a: {  	s1 =	rddreg [dreg:$0x19];
	[sflag:s4] =	ssyncadd.s32 $0xFFFF9C00  }
0x22b: {  	[tilespmem:s2], [sflag:$0x1] =	stream.linear.gather [hbm4b:s1+s2], $0x6400, $0x38;
	[tilespmem:$0xC800] =	vst v63  }
0x22c: {  	_ =	swait.ge [sflag:s13], $0x6400  }
0x22d: {  	[sflag:s13] =	ssyncset.done $0x0  }
0x22e: {  	s1 =	rddreg [dreg:$0x1a];
	[sflag:s13] =	ssyncadd.s32 $0xFFFF9C00  }
0x22f: {  	[hbm4b:s1+s2] =	stream.linear.scatter [tilespmem:s10], [sflag:$0x4], $0x6400, $0x38;
	[tilespmem:$0xC800] =	vst v63  }
0x230: {  	_ =	swait.ge [sflag:s7], $0x6400  }
0x231: {  	[sflag:s7] =	ssyncset.done $0x0  }
0x232: {  	s1 =	rddreg [dreg:$0x1b];
	[sflag:s7] =	ssyncadd.s32 $0xFFFF9C00  }
0x233: {  	[tilespmem:s10], [sflag:$0x2] =	stream.linear.gather [hbm4b:s1+s2], $0x6400, $0x38;
	[tilespmem:$0xC800] =	vst v63  }
0x234: {  	_ =	swait.ge [sflag:s8], $0x6400  }
0x235: {  	[sflag:s8] =	ssyncset.done $0x0  }
0x236: {  	s1 =	rddreg [dreg:$0x1c];
	[sflag:s8] =	ssyncadd.s32 $0xFFFF9C00  }
0x237: {  	[hbm4b:s1+s2] =	stream.linear.scatter [tilespmem:s2], [sflag:$0x3], $0x6400, $0x38;
	[tilespmem:$0xC800] =	vst v63  }
0x238: {  	_ =	swait.ge [sflag:s4], $0x6400  }
0x239: {  	[sflag:s4] =	ssyncset.done $0x0  }
0x23a: {  	[sflag:s4] =	ssyncadd.s32 $0xFFFF9C00  }
0x23b: {  	[tilespmem:s2], [sflag:$0x1] =	stream.linear.gather [hbm4b:s31+s2], $0x6400, $0x38;
	[tilespmem:$0xC800] =	vst v63  }
0x23c: {  	_ =	swait.ge [sflag:s13], $0x6400  }
0x23d: {  	[sflag:s13] =	ssyncset.done $0x0  }
0x23e: {  	[sflag:s13] =	ssyncadd.s32 $0xFFFF9C00  }
0x23f: {  	[hbm4b:s30+s2] =	stream.linear.scatter [tilespmem:s10], [sflag:$0x4], $0x6400, $0x38;
	[tilespmem:$0xC800] =	vst v63  }
0x240: {  	_ =	swait.ge [sflag:s7], $0x6400  }
0x241: {  	[sflag:s7] =	ssyncset.done $0x0  }
0x242: {  	[sflag:s7] =	ssyncadd.s32 $0xFFFF9C00  }
0x243: {  	[tilespmem:s10], [sflag:$0x2] =	stream.linear.gather [hbm4b:s29+s2], $0x6400, $0x38;
	[tilespmem:$0xC800] =	vst v63  }
0x244: {  	_ =	swait.ge [sflag:s8], $0x6400  }
0x245: {  	[sflag:s8] =	ssyncset.done $0x0  }
0x246: {  	[sflag:s8] =	ssyncadd.s32 $0xFFFF9C00  }
0x247: {  	[hbm4b:s28+s2] =	stream.linear.scatter [tilespmem:s2], [sflag:$0x3], $0x6400, $0x38;
	[tilespmem:$0xC800] =	vst v63  }
0x248: {  	_ =	swait.ge [sflag:s4], $0x6400  }
0x249: {  	[sflag:s4] =	ssyncset.done $0x0  }
0x24a: {  	[sflag:s4] =	ssyncadd.s32 $0xFFFF9C00  }
0x24b: {  	[tilespmem:s2], [sflag:$0x1] =	stream.linear.gather [hbm4b:s26+s2], $0x6400, $0x38;
	[tilespmem:$0xC800] =	vst v63  }
0x24c: {  	_ =	swait.ge [sflag:s13], $0x6400  }
0x24d: {  	[sflag:s13] =	ssyncset.done $0x0  }
0x24e: {  	[sflag:s13] =	ssyncadd.s32 $0xFFFF9C00  }
0x24f: {  	[hbm4b:s25+s2] =	stream.linear.scatter [tilespmem:s10], [sflag:$0x4], $0x6400, $0x38;
	[tilespmem:$0xC800] =	vst v63  }
0x250: {  	_ =	swait.ge [sflag:s7], $0x6400  }
0x251: {  	[sflag:s7] =	ssyncset.done $0x0  }
0x252: {  	[sflag:s7] =	ssyncadd.s32 $0xFFFF9C00  }
0x253: {  	[tilespmem:s10], [sflag:$0x2] =	stream.linear.gather [hbm4b:s24+s2], $0x6400, $0x38;
	[tilespmem:$0xC800] =	vst v63  }
0x254: {  	_ =	swait.ge [sflag:s8], $0x6400  }
0x255: {  	[sflag:s8] =	ssyncset.done $0x0  }
0x256: {  	[sflag:s8] =	ssyncadd.s32 $0xFFFF9C00  }
0x257: {  	[hbm4b:s23+s2] =	stream.linear.scatter [tilespmem:s2], [sflag:$0x3], $0x6400, $0x38;
	[tilespmem:$0xC800] =	vst v63  }
0x258: {  	_ =	swait.ge [sflag:s4], $0x6400  }
0x259: {  	[sflag:s4] =	ssyncset.done $0x0  }
0x25a: {  	[sflag:s4] =	ssyncadd.s32 $0xFFFF9C00  }
0x25b: {  	[tilespmem:s2], [sflag:$0x1] =	stream.linear.gather [hbm4b:s22+s2], $0x6400, $0x38;
	[tilespmem:$0xC800] =	vst v63  }
0x25c: {  	_ =	swait.ge [sflag:s13], $0x6400  }
0x25d: {  	[sflag:s13] =	ssyncset.done $0x0  }
0x25e: {  	[sflag:s13] =	ssyncadd.s32 $0xFFFF9C00  }
0x25f: {  	[hbm4b:s21+s2] =	stream.linear.scatter [tilespmem:s10], [sflag:$0x4], $0x6400, $0x38;
	[tilespmem:$0xC800] =	vst v63  }
0x260: {  	_ =	swait.ge [sflag:s7], $0x6400  }
0x261: {  	[sflag:s7] =	ssyncset.done $0x0  }
0x262: {  	[sflag:s7] =	ssyncadd.s32 $0xFFFF9C00  }
0x263: {  	[tilespmem:s10], [sflag:$0x2] =	stream.linear.gather [hbm4b:s20+s2], $0x6400, $0x38;
	[tilespmem:$0xC800] =	vst v63  }
0x264: {  	_ =	swait.ge [sflag:s8], $0x6400  }
0x265: {  	[sflag:s8] =	ssyncset.done $0x0  }
0x266: {  	[sflag:s8] =	ssyncadd.s32 $0xFFFF9C00  }
0x267: {  	[hbm4b:s19+s2] =	stream.linear.scatter [tilespmem:s2], [sflag:$0x3], $0x6400, $0x38;
	[tilespmem:$0xC800] =	vst v63  }
0x268: {  	_ =	swait.ge [sflag:s4], $0x6400  }
0x269: {  	[sflag:s4] =	ssyncset.done $0x0  }
0x26a: {  	[sflag:s4] =	ssyncadd.s32 $0xFFFF9C00  }
0x26b: {  	[tilespmem:s2], [sflag:$0x1] =	stream.linear.gather [hbm4b:s18+s2], $0x6400, $0x38;
	[tilespmem:$0xC800] =	vst v63  }
0x26c: {  	_ =	swait.ge [sflag:s13], $0x6400  }
0x26d: {  	[sflag:s13] =	ssyncset.done $0x0  }
0x26e: {  	[sflag:s13] =	ssyncadd.s32 $0xFFFF9C00  }
0x26f: {  	[hbm4b:s17+s2] =	stream.linear.scatter [tilespmem:s10], [sflag:$0x4], $0x6400, $0x38;
	[tilespmem:$0xC800] =	vst v63  }
0x270: {  	_ =	swait.ge [sflag:s7], $0x6400  }
0x271: {  	[sflag:s7] =	ssyncset.done $0x0  }
0x272: {  	[sflag:s7] =	ssyncadd.s32 $0xFFFF9C00  }
0x273: {  	[tilespmem:s10], [sflag:$0x2] =	stream.linear.gather [hbm4b:s16+s2], $0x6400, $0x38;
	[tilespmem:$0xC800] =	vst v63  }
0x274: {  	_ =	swait.ge [sflag:s8], $0x6400  }
0x275: {  	[sflag:s8] =	ssyncset.done $0x0  }
0x276: {  	[sflag:s8] =	ssyncadd.s32 $0xFFFF9C00  }
0x277: {  	[hbm4b:s14+s2] =	stream.linear.scatter [tilespmem:s2], [sflag:$0x3], $0x6400, $0x38;
	[tilespmem:$0xC800] =	vst v63  }
0x278: {  	_ =	swait.ge [sflag:s4], $0x6400  }
0x279: {  	[sflag:s4] =	ssyncset.done $0x0  }
0x27a: {  	[sflag:s4] =	ssyncadd.s32 $0xFFFF9C00  }
0x27b: {  	[tilespmem:s2], [sflag:$0x1] =	stream.linear.gather [hbm4b:s15+s2], $0x6400, $0x38;
	[tilespmem:$0xC800] =	vst v63  }
0x27c: {  	_ =	swait.ge [sflag:s13], $0x6400  }
0x27d: {  	[sflag:s13] =	ssyncset.done $0x0  }
0x27e: {  	[sflag:s13] =	ssyncadd.s32 $0xFFFF9C00  }
0x27f: {  	[hbm4b:s11+s2] =	stream.linear.scatter [tilespmem:s10], [sflag:$0x4], $0x6400, $0x38;
	[tilespmem:$0xC800] =	vst v63  }
0x280: {  	_ =	swait.ge [sflag:s7], $0x6400  }
0x281: {  	[sflag:s7] =	ssyncset.done $0x0  }
0x282: {  	[sflag:s7] =	ssyncadd.s32 $0xFFFF9C00  }
0x283: {  	[tilespmem:s10], [sflag:$0x2] =	stream.linear.gather [hbm4b:s12+s2], $0x6400, $0x38;
	[tilespmem:$0xC800] =	vst v63  }
0x284: {  	_ =	swait.ge [sflag:s8], $0x6400  }
0x285: {  	[sflag:s8] =	ssyncset.done $0x0  }
0x286: {  	[sflag:s8] =	ssyncadd.s32 $0xFFFF9C00  }
0x287: {  	[hbm4b:s9+s2] =	stream.linear.scatter [tilespmem:s2], [sflag:$0x3], $0x6400, $0x38;
	[tilespmem:$0xC800] =	vst v63  }
0x288: {  	_ =	swait.ge [sflag:s4], $0x6400  }
0x289: {  	[sflag:s4] =	ssyncset.done $0x0  }
0x28a: {  	[sflag:s4] =	ssyncadd.s32 $0xFFFF9C00  }
0x28b: {  	[tilespmem:s2], [sflag:$0x1] =	stream.linear.gather [hbm4b:s6+s2], $0x6400, $0x38;
	[tilespmem:$0xC800] =	vst v63  }
0x28c: {  	_ =	swait.ge [sflag:s13], $0x6400  }
0x28d: {  	[sflag:s13] =	ssyncset.done $0x0  }
0x28e: {  	[sflag:s13] =	ssyncadd.s32 $0xFFFF9C00  }
0x28f: {  	[hbm4b:s5+s2] =	stream.linear.scatter [tilespmem:s10], [sflag:$0x4], $0x6400, $0x38;
	[tilespmem:$0xC800] =	vst v63  }
0x290: {  	_ =	swait.ge [sflag:s8], $0x6400  }
0x291: {  	[sflag:s8] =	ssyncset.done $0x0  }
0x292: {  	[sflag:s8] =	ssyncadd.s32 $0xFFFF9C00  }
0x293: {  	[hbm4b:s3+s2] =	stream.linear.scatter [tilespmem:s2], [sflag:$0x3], $0x6400, $0x38;
	[tilespmem:$0xC800] =	vst v63  }
0x294: {  	_ =	swait.ge [sflag:s7], $0x6400  }
0x295: {  	[sflag:s7] =	ssyncset.done $0x0  }
0x296: {  	[sflag:s7] =	ssyncadd.s32 $0xFFFF9C00  }
0x297: {  	_ =	swait.ge [sflag:s4], $0x6400  }
0x298: {  	[sflag:s4] =	ssyncset.done $0x0  }
0x299: {  	[sflag:s4] =	ssyncadd.s32 $0xFFFF9C00  }
0x29a: {  	_ =	sfence.sel $0x180000  }
0x29b: {  	[bflag:$0x0] =	sbarrier.arrive $0xFFFF  }
0x29c: {  	_ =	strace $0x90000047  }
0x29d: {  	s31 =	stileid.u32;
	[bflag:$0x2] =	sbarrier.arrive $0xFFFF  }
0x29e: {  	p0 =	sne.s32 s31, $0x0;
	s0 =	rddreg [dreg:$0x1]  }
0x29f: {  	s0 =	sadd.s32 @!p0 $0x100000, s0  }
0x2a0: {  	[sflag:s0] =	ssyncadd.tile.s32 @!p0 $0x1;
	_ =	shalt  }
.Lfunc_end2:
_tile_overlayer_lowered:
.L_overlay_start_2:
0x2a1: {  	(tag) =	ssettag $0x2  }
0x2a2: {  	s0 =	rddreg [dreg:$0x0];
	s2 =	stileid.u32  }
0x2a3: {  	s1 =	rddreg [dreg:$0x1];
	p0 =	sne.s32 s2, $0x0  }
0x2a4: {  	s3 =	rddreg [dreg:$0x2];
	[bflag:$0x3] =	sbarrier.arrive $0xFFFF;
	s2 =	simm.s32 @!p0 $0x1C05  }
0x2a5: {  	[timem:s3], [sflag:s2] =	dma.local @!p0 [hbm:s0], s1  }
0x2a6: {  	s0 =	simm.s32 @!p0 $0x5  }
0x2a7: {  	_ =	swait.ge @!p0 [sflag:s0], s1  }
0x2a8: {  	s1 =	ssub.s32 @!p0 $0x0, s1;
	[sflag:s0] =	ssyncset.done @!p0 $0x0  }
0x2a9: {  	[sflag:s0] =	ssyncadd.s32 @!p0 s1  }
0x2aa: {  	[bflag:$0x3] =	sbarrier.arrive $0xFFFF  }
0x2ab: {  	_ =	shalt  }

</sc_bundles>
